<compile_context>
chip_gen: v7x
topology: tpu7x:2x2x1
jax: 0.10.2.dev20260603
libtpu: 0.0.44.dev20260713+nightly
codegen_flags: <defaults>
</compile_context>

<pallas_src>
import functools

import jax
import jax.numpy as jnp
from jax import lax
from jax.experimental import pallas as pl
from jax.experimental.pallas import tpu as pltpu
from jax.experimental.pallas import tpu_sc as plsc

N_NODES = 10000
D = 128
E = 320000
N_PAD = 10240
NUM_CORES = 2
NUM_SUBCORES = 16
NUM_TILES = NUM_CORES * NUM_SUBCORES
CHUNK = 112
NUM_CHUNKS = 90
EDGES_PER_TILE = NUM_CHUNKS * CHUNK
ROWS_PER_TILE = N_PAD // NUM_SUBCORES

DCHUNK = 128
DEG_CHUNKS = 80
DEG_EDGES_PER_TILE = DEG_CHUNKS * DCHUNK

_mesh = plsc.VectorSubcoreMesh(core_axis_name="c", subcore_axis_name="s")


@functools.partial(
    pl.kernel,
    out_type=jax.ShapeDtypeStruct((NUM_CORES * N_PAD,), jnp.float32),
    mesh=_mesh,
    scratch_types=[
        pltpu.VMEM((DEG_CHUNKS, DCHUNK), jnp.int32),
        pltpu.VMEM((DCHUNK,), jnp.float32),
        pltpu.VMEM_SHARED((N_PAD,), jnp.float32),
        pltpu.SemaphoreType.DMA,
    ],
)
def _deg_kernel(dst_hbm, zrow_hbm, deg_hbm, didx_all, ones_v, acc_sh, sem):
    cid = lax.axis_index("c")
    sid = lax.axis_index("s")
    w = cid * NUM_SUBCORES + sid
    r0 = pl.multiple_of(sid * ROWS_PER_TILE, 8)
    pltpu.sync_copy(zrow_hbm, acc_sh.at[pl.ds(r0, ROWS_PER_TILE)])
    pltpu.sync_copy(dst_hbm.at[w], didx_all)
    for i in range(DCHUNK // 16):
        ones_v[pl.ds(i * 16, 16)] = jnp.ones((16,), jnp.float32)
    plsc.subcore_barrier()

    def outer(g, carry):
        for j in range(8):
            pltpu.async_copy(ones_v, acc_sh.at[didx_all.at[g * 8 + j]], sem,
                             add=True)
        for j in range(8):
            pltpu.make_async_copy(ones_v, acc_sh.at[didx_all.at[g * 8 + j]],
                                  sem).wait()
        return carry

    lax.fori_loop(0, DEG_CHUNKS // 8, outer, 0)
    plsc.subcore_barrier()
    o0 = pl.multiple_of(cid * N_PAD + r0, 8)
    pltpu.sync_copy(acc_sh.at[pl.ds(r0, ROWS_PER_TILE)],
                    deg_hbm.at[pl.ds(o0, ROWS_PER_TILE)])


_DEPTH = 3


@functools.partial(
    pl.kernel,
    out_type=jax.ShapeDtypeStruct((NUM_CORES, N_PAD, D), jnp.float32),
    mesh=_mesh,
    scratch_types=[
        [pltpu.VMEM((2, CHUNK), jnp.int32) for _ in range(_DEPTH)],
        [pltpu.VMEM((CHUNK, D), jnp.float32) for _ in range(_DEPTH)],
        pltpu.VMEM_SHARED((N_PAD, D), jnp.float32),
        [pltpu.SemaphoreType.DMA for _ in range(_DEPTH)],
        [pltpu.SemaphoreType.DMA for _ in range(_DEPTH)],
    ],
)
def _edge_kernel(pair_hbm, y_hbm, zrows_hbm, acc_hbm,
                 ib, rb, acc_sh, gsem, isem):
    cid = lax.axis_index("c")
    sid = lax.axis_index("s")
    w = cid * NUM_SUBCORES + sid
    r0 = pl.multiple_of(sid * ROWS_PER_TILE, 8)
    pltpu.sync_copy(zrows_hbm, acc_sh.at[pl.ds(r0, ROWS_PER_TILE)])
    for k in range(_DEPTH - 1):
        pltpu.sync_copy(pair_hbm.at[w, k], ib[k])
    pltpu.async_copy(pair_hbm.at[w, _DEPTH - 1], ib[_DEPTH - 1],
                     isem[_DEPTH - 1])
    for k in range(_DEPTH - 1):
        pltpu.async_copy(y_hbm.at[ib[k].at[0]], rb[k], gsem[k])
    plsc.subcore_barrier()

    def half(c, k):
        kf = (k + _DEPTH - 1) % _DEPTH
        pltpu.make_async_copy(pair_hbm.at[w, 0], ib[kf], isem[kf]).wait()
        pltpu.async_copy(y_hbm.at[ib[kf].at[0]], rb[kf], gsem[kf])
        pltpu.make_async_copy(y_hbm.at[ib[k].at[0]], rb[k], gsem[k]).wait()
        pltpu.sync_copy(rb[k], acc_sh.at[ib[k].at[1]], add=True)
        pltpu.async_copy(pair_hbm.at[w, lax.rem(c + _DEPTH, NUM_CHUNKS)],
                         ib[k], isem[k])

    def body(g, carry):
        for k in range(_DEPTH):
            half(_DEPTH * g + k, k)
        return carry

    lax.fori_loop(0, NUM_CHUNKS // _DEPTH, body, 0)
    for k in range(_DEPTH - 1):
        pltpu.make_async_copy(y_hbm.at[ib[k].at[0]], rb[k], gsem[k]).wait()
    pltpu.make_async_copy(pair_hbm.at[w, 0], ib[_DEPTH - 1],
                          isem[_DEPTH - 1]).wait()
    plsc.subcore_barrier()
    pltpu.sync_copy(acc_sh.at[pl.ds(r0, ROWS_PER_TILE)],
                    acc_hbm.at[cid, pl.ds(r0, ROWS_PER_TILE)])


def _mm_body(x_ref, w_ref, d0_ref, d1_ref, y_ref, dinv_ref):
    deg = d0_ref[...] + d1_ref[...] + 1.0
    dinv = lax.rsqrt(deg)
    xw = jnp.dot(x_ref[...], w_ref[...], preferred_element_type=jnp.float32)
    y_ref[...] = xw * dinv[:, None]
    dinv_ref[...] = dinv


def _mm(x_p, W, d0, d1):
    return pl.pallas_call(
        _mm_body,
        out_shape=[
            jax.ShapeDtypeStruct((N_PAD, D), jnp.float32),
            jax.ShapeDtypeStruct((N_PAD,), jnp.float32),
        ],
    )(x_p, W, d0, d1)


def _final_body(accp_ref, y_ref, dinv_ref, b_ref, a_ref, out_ref):
    s = accp_ref[0] + accp_ref[1] + y_ref[...]
    h = s * dinv_ref[...][:, None] + b_ref[...][None, :]
    a = a_ref[0]
    out_ref[...] = jnp.where(h > 0, h, a * h)


def _final(accp, y, dinv, b, a):
    return pl.pallas_call(
        _final_body,
        in_specs=[
            pl.BlockSpec(memory_space=pltpu.VMEM),
            pl.BlockSpec(memory_space=pltpu.VMEM),
            pl.BlockSpec(memory_space=pltpu.VMEM),
            pl.BlockSpec(memory_space=pltpu.VMEM),
            pl.BlockSpec(memory_space=pltpu.SMEM),
        ],
        out_specs=pl.BlockSpec(memory_space=pltpu.VMEM),
        out_shape=jax.ShapeDtypeStruct((N_PAD, D), jnp.float32),
    )(accp, y, dinv, b, a)


def kernel(seq, adj, W, b, prelu_a):
    src = adj[0].astype(jnp.int32)
    dst = adj[1].astype(jnp.int32)
    per_tile = E // NUM_TILES
    pad = N_NODES + jnp.arange(EDGES_PER_TILE - per_tile,
                               dtype=jnp.int32) % (N_PAD - N_NODES)
    pad = jnp.broadcast_to(pad, (NUM_TILES, pad.shape[0]))
    src_p = jnp.concatenate([src.reshape(NUM_TILES, per_tile), pad],
                            1).reshape(NUM_TILES, NUM_CHUNKS, CHUNK)
    dst_p = jnp.concatenate([dst.reshape(NUM_TILES, per_tile), pad],
                            1).reshape(NUM_TILES, NUM_CHUNKS, CHUNK)
    pair_p = jnp.stack([src_p, dst_p], axis=2)
    dpad = N_NODES + jnp.arange(DEG_EDGES_PER_TILE - per_tile,
                                dtype=jnp.int32) % (N_PAD - N_NODES)
    dpad = jnp.broadcast_to(dpad, (NUM_TILES, dpad.shape[0]))
    dst_deg = jnp.concatenate([dst.reshape(NUM_TILES, per_tile), dpad],
                              1).reshape(NUM_TILES, DEG_CHUNKS, DCHUNK)
    x_p = jnp.pad(seq, ((0, N_PAD - N_NODES), (0, 0)))
    zrow = jnp.zeros((ROWS_PER_TILE,), jnp.float32)
    zrows = jnp.zeros((ROWS_PER_TILE, D), jnp.float32)

    degp = _deg_kernel(dst_deg, zrow)
    y, dinv = _mm(x_p, W, degp[:N_PAD], degp[N_PAD:])
    accp = _edge_kernel(pair_p, y, zrows)
    out = _final(accp, y, dinv, b, jnp.reshape(prelu_a, (1,)))
    return out[:N_NODES]

# --- scband reference (transcript-rebuilt; emitter-appended) ---
"""Pipeline reference for scband-dgi-12489764897133 (READ-ONLY COPY).

The authoritative reference and input builder live on the scoring server;
editing this copy changes nothing except your own understanding.
"""

import jax, jax.numpy as jnp
import numpy as np

N_NODES = 10000
N_EDGES = 320000
D_IN = 128
D_H = 128


def setup_inputs(seed: int = 0) -> dict:
    key = jax.random.key(seed)
    k1, k2, k3, k4 = jax.random.split(key, 4)
    seq = jax.random.normal(k1, (N_NODES, D_IN), dtype=jnp.float32)
    adj = jax.random.randint(k2, (2, N_EDGES), 0, N_NODES, dtype=jnp.int64)
    # GCNConv weight (glorot) and bias (zeros), PReLU scalar weight (0.25)
    limit = float(np.sqrt(6.0 / (D_IN + D_H)))
    W = jax.random.uniform(k3, (D_IN, D_H), minval=-limit, maxval=limit, dtype=jnp.float32)
    b = jnp.zeros((D_H,), dtype=jnp.float32)
    prelu_a = jnp.array(0.25, dtype=jnp.float32)
    return {"seq": seq, "adj": adj, "W": W, "b": b, "prelu_a": prelu_a}


def _gcn_conv(x, edge_index, W, b):
    # PyG GCNConv: add self-loops, symmetric normalization, linear transform,
    # scatter-add aggregation (source_to_target flow), then bias.
    N = x.shape[0]
    src = edge_index[0]
    dst = edge_index[1]
    loop = jnp.arange(N, dtype=edge_index.dtype)
    src = jnp.concatenate([src, loop])
    dst = jnp.concatenate([dst, loop])
    deg = jnp.zeros((N,), dtype=x.dtype).at[dst].add(1.0)
    deg_inv_sqrt = jnp.where(deg > 0, 1.0 / jnp.sqrt(deg), 0.0)
    norm = deg_inv_sqrt[src] * deg_inv_sqrt[dst]
    xw = x @ W
    msg = xw[src] * norm[:, None]
    out = jnp.zeros((N, W.shape[1]), dtype=x.dtype).at[dst].add(msg)
    return out + b


def reference(seq, adj, W, b, prelu_a):
    h = _gcn_conv(seq, adj, W, b)
    # PReLU with a single shared parameter
    h1 = jnp.where(h > 0, h, prelu_a * h)
    return h1

if __name__ == "__main__":
    import jax
    _d = setup_inputs()
    print(jax.jit(kernel)(*tuple(_d.values())))

</pallas_src>

<mosaic_0001>
#map = affine_map<(d0, d1) -> (0, 0, 0)>
#map1 = affine_map<(d0, d1) -> (0)>
module attributes {stable_mosaic.version = 14 : i64} {
  func.func @_deg_kernel(%arg0: i32, %arg1: i32, %arg2: memref<32x80x128xi32, #tpu.memory_space<hbm>>, %arg3: memref<640xf32, #tpu.memory_space<hbm>>, %arg4: memref<20480xf32, #tpu.memory_space<hbm>>, %arg5: memref<80x128xi32, #tpu.memory_space<vmem>>, %arg6: memref<128xf32, #tpu.memory_space<vmem>>, %arg7: memref<10240xf32, #tpu.memory_space<vmem_shared>>, %arg8: memref<!tpu.dma_semaphore, #tpu.memory_space<semaphore_mem>>) attributes {dimension_semantics = [#tpu.dimension_semantics<core_parallel>, #tpu.dimension_semantics<subcore_parallel>], iteration_bounds = array<i64: 2, 16>, scalar_prefetch = 0 : i64, scratch_operands = 4 : i64, tpu.core_type = #tpu.core_type<sc_vector_subcore>, window_params = [{transform_indices = #map}, {transform_indices = #map1}, {transform_indices = #map1}]} {
    %mul3A = arith.constant 16 : i32
    %mul3A_0 = arith.muli %arg0, %mul3A : i32
    %add3A = arith.addi %mul3A_0, %arg1 : i32
    %mul3A_1 = arith.constant 640 : i32
    %mul3A_2 = arith.muli %arg1, %mul3A_1 : i32
    %multiple_of3A = tpu.assume_multiple %mul3A_2, 8 : i32
    "tpu.region"() ({
      %run_scoped3A = tpu.sem_alloc : memref<!tpu.dma_semaphore, #tpu.memory_space<semaphore_mem>>
      %dma_start3A = tpu.memref_slice %arg7[%multiple_of3A] : memref<10240xf32, #tpu.memory_space<vmem_shared>> -> memref<640xf32, #tpu.memory_space<vmem_shared>>
      tpu.enqueue_dma source(%arg3 : memref<640xf32, #tpu.memory_space<hbm>>) target(%dma_start3A : memref<640xf32, #tpu.memory_space<vmem_shared>>) target_semaphore(%run_scoped3A : memref<!tpu.dma_semaphore, #tpu.memory_space<semaphore_mem>>)
      %dma_wait3A = tpu.memref_slice %arg7[%multiple_of3A] : memref<10240xf32, #tpu.memory_space<vmem_shared>> -> memref<640xf32, #tpu.memory_space<vmem_shared>>
      tpu.wait_dma2 semaphore(%run_scoped3A : memref<!tpu.dma_semaphore, #tpu.memory_space<semaphore_mem>>) src(%arg3 : memref<640xf32, #tpu.memory_space<hbm>>) dst(%dma_wait3A : memref<640xf32, #tpu.memory_space<vmem_shared>>)
      tpu.yield
    }) : () -> ()
    "tpu.region"() ({
      %run_scoped3A = tpu.sem_alloc : memref<!tpu.dma_semaphore, #tpu.memory_space<semaphore_mem>>
      %dma_start3A = arith.constant 0 : i32
      %dma_start3A_59 = arith.constant 0 : i32
      %dma_start3A_60 = tpu.memref_slice %arg2[%add3A, %dma_start3A, %dma_start3A_59] : memref<32x80x128xi32, #tpu.memory_space<hbm>> -> memref<1x80x128xi32, #tpu.memory_space<hbm>>
      %dma_start3A_61 = tpu.memref_squeeze %dma_start3A_60 : memref<1x80x128xi32, #tpu.memory_space<hbm>> -> memref<80x128xi32, #tpu.memory_space<hbm>>
      %dma_start3A_62 = arith.constant 0 : i32
      %dma_start3A_63 = arith.constant 0 : i32
      %dma_start3A_64 = tpu.memref_slice %arg2[%add3A, %dma_start3A_62, %dma_start3A_63] : memref<32x80x128xi32, #tpu.memory_space<hbm>> -> memref<1x80x128xi32, #tpu.memory_space<hbm>>
      %dma_start3A_65 = tpu.memref_squeeze %dma_start3A_64 : memref<1x80x128xi32, #tpu.memory_space<hbm>> -> memref<80x128xi32, #tpu.memory_space<hbm>>
      tpu.enqueue_dma source(%dma_start3A_65 : memref<80x128xi32, #tpu.memory_space<hbm>>) target(%arg5 : memref<80x128xi32, #tpu.memory_space<vmem>>) target_semaphore(%run_scoped3A : memref<!tpu.dma_semaphore, #tpu.memory_space<semaphore_mem>>)
      %dma_wait3A = arith.constant 0 : i32
      %dma_wait3A_66 = arith.constant 0 : i32
      %dma_wait3A_67 = tpu.memref_slice %arg2[%add3A, %dma_wait3A, %dma_wait3A_66] : memref<32x80x128xi32, #tpu.memory_space<hbm>> -> memref<1x80x128xi32, #tpu.memory_space<hbm>>
      %dma_wait3A_68 = tpu.memref_squeeze %dma_wait3A_67 : memref<1x80x128xi32, #tpu.memory_space<hbm>> -> memref<80x128xi32, #tpu.memory_space<hbm>>
      %dma_wait3A_69 = arith.constant 0 : i32
      %dma_wait3A_70 = arith.constant 0 : i32
      %dma_wait3A_71 = tpu.memref_slice %arg2[%add3A, %dma_wait3A_69, %dma_wait3A_70] : memref<32x80x128xi32, #tpu.memory_space<hbm>> -> memref<1x80x128xi32, #tpu.memory_space<hbm>>
      %dma_wait3A_72 = tpu.memref_squeeze %dma_wait3A_71 : memref<1x80x128xi32, #tpu.memory_space<hbm>> -> memref<80x128xi32, #tpu.memory_space<hbm>>
      tpu.wait_dma2 semaphore(%run_scoped3A : memref<!tpu.dma_semaphore, #tpu.memory_space<semaphore_mem>>) src(%dma_wait3A_72 : memref<80x128xi32, #tpu.memory_space<hbm>>) dst(%arg5 : memref<80x128xi32, #tpu.memory_space<vmem>>)
      tpu.yield
    }) : () -> ()
    %broadcast_in_dim3A = arith.constant 1.000000e+00 : f32
    %broadcast_in_dim3A_3 = vector.broadcast %broadcast_in_dim3A : f32 to vector<16xf32>
    %swap3A = arith.constant 0 : index
    %swap3A_4 = tpu.vector_load %arg6[%swap3A] {strides = array<i32>} : memref<128xf32, #tpu.memory_space<vmem>>, vector<16xf32>,
    %swap3A_5 = vector.shape_cast %swap3A_4 : vector<16xf32> to vector<16xf32>
    %swap3A_6 = vector.shape_cast %broadcast_in_dim3A_3 : vector<16xf32> to vector<16xf32>
    tpu.vector_store %arg6[%swap3A], %swap3A_6 {strides = array<i32>} : memref<128xf32, #tpu.memory_space<vmem>>, vector<16xf32>,
    %broadcast_in_dim3A_7 = arith.constant 1.000000e+00 : f32
    %broadcast_in_dim3A_8 = vector.broadcast %broadcast_in_dim3A_7 : f32 to vector<16xf32>
    %swap3A_9 = arith.constant 16 : index
    %swap3A_10 = tpu.vector_load %arg6[%swap3A_9] {strides = array<i32>} : memref<128xf32, #tpu.memory_space<vmem>>, vector<16xf32>,
    %swap3A_11 = vector.shape_cast %swap3A_10 : vector<16xf32> to vector<16xf32>
    %swap3A_12 = vector.shape_cast %broadcast_in_dim3A_8 : vector<16xf32> to vector<16xf32>
    tpu.vector_store %arg6[%swap3A_9], %swap3A_12 {strides = array<i32>} : memref<128xf32, #tpu.memory_space<vmem>>, vector<16xf32>,
    %broadcast_in_dim3A_13 = arith.constant 1.000000e+00 : f32
    %broadcast_in_dim3A_14 = vector.broadcast %broadcast_in_dim3A_13 : f32 to vector<16xf32>
    %swap3A_15 = arith.constant 32 : index
    %swap3A_16 = tpu.vector_load %arg6[%swap3A_15] {strides = array<i32>} : memref<128xf32, #tpu.memory_space<vmem>>, vector<16xf32>,
    %swap3A_17 = vector.shape_cast %swap3A_16 : vector<16xf32> to vector<16xf32>
    %swap3A_18 = vector.shape_cast %broadcast_in_dim3A_14 : vector<16xf32> to vector<16xf32>
    tpu.vector_store %arg6[%swap3A_15], %swap3A_18 {strides = array<i32>} : memref<128xf32, #tpu.memory_space<vmem>>, vector<16xf32>,
    %broadcast_in_dim3A_19 = arith.constant 1.000000e+00 : f32
    %broadcast_in_dim3A_20 = vector.broadcast %broadcast_in_dim3A_19 : f32 to vector<16xf32>
    %swap3A_21 = arith.constant 48 : index
    %swap3A_22 = tpu.vector_load %arg6[%swap3A_21] {strides = array<i32>} : memref<128xf32, #tpu.memory_space<vmem>>, vector<16xf32>,
    %swap3A_23 = vector.shape_cast %swap3A_22 : vector<16xf32> to vector<16xf32>
    %swap3A_24 = vector.shape_cast %broadcast_in_dim3A_20 : vector<16xf32> to vector<16xf32>
    tpu.vector_store %arg6[%swap3A_21], %swap3A_24 {strides = array<i32>} : memref<128xf32, #tpu.memory_space<vmem>>, vector<16xf32>,
    %broadcast_in_dim3A_25 = arith.constant 1.000000e+00 : f32
    %broadcast_in_dim3A_26 = vector.broadcast %broadcast_in_dim3A_25 : f32 to vector<16xf32>
    %swap3A_27 = arith.constant 64 : index
    %swap3A_28 = tpu.vector_load %arg6[%swap3A_27] {strides = array<i32>} : memref<128xf32, #tpu.memory_space<vmem>>, vector<16xf32>,
    %swap3A_29 = vector.shape_cast %swap3A_28 : vector<16xf32> to vector<16xf32>
    %swap3A_30 = vector.shape_cast %broadcast_in_dim3A_26 : vector<16xf32> to vector<16xf32>
    tpu.vector_store %arg6[%swap3A_27], %swap3A_30 {strides = array<i32>} : memref<128xf32, #tpu.memory_space<vmem>>, vector<16xf32>,
    %broadcast_in_dim3A_31 = arith.constant 1.000000e+00 : f32
    %broadcast_in_dim3A_32 = vector.broadcast %broadcast_in_dim3A_31 : f32 to vector<16xf32>
    %swap3A_33 = arith.constant 80 : index
    %swap3A_34 = tpu.vector_load %arg6[%swap3A_33] {strides = array<i32>} : memref<128xf32, #tpu.memory_space<vmem>>, vector<16xf32>,
    %swap3A_35 = vector.shape_cast %swap3A_34 : vector<16xf32> to vector<16xf32>
    %swap3A_36 = vector.shape_cast %broadcast_in_dim3A_32 : vector<16xf32> to vector<16xf32>
    tpu.vector_store %arg6[%swap3A_33], %swap3A_36 {strides = array<i32>} : memref<128xf32, #tpu.memory_space<vmem>>, vector<16xf32>,
    %broadcast_in_dim3A_37 = arith.constant 1.000000e+00 : f32
    %broadcast_in_dim3A_38 = vector.broadcast %broadcast_in_dim3A_37 : f32 to vector<16xf32>
    %swap3A_39 = arith.constant 96 : index
    %swap3A_40 = tpu.vector_load %arg6[%swap3A_39] {strides = array<i32>} : memref<128xf32, #tpu.memory_space<vmem>>, vector<16xf32>,
    %swap3A_41 = vector.shape_cast %swap3A_40 : vector<16xf32> to vector<16xf32>
    %swap3A_42 = vector.shape_cast %broadcast_in_dim3A_38 : vector<16xf32> to vector<16xf32>
    tpu.vector_store %arg6[%swap3A_39], %swap3A_42 {strides = array<i32>} : memref<128xf32, #tpu.memory_space<vmem>>, vector<16xf32>,
    %broadcast_in_dim3A_43 = arith.constant 1.000000e+00 : f32
    %broadcast_in_dim3A_44 = vector.broadcast %broadcast_in_dim3A_43 : f32 to vector<16xf32>
    %swap3A_45 = arith.constant 112 : index
    %swap3A_46 = tpu.vector_load %arg6[%swap3A_45] {strides = array<i32>} : memref<128xf32, #tpu.memory_space<vmem>>, vector<16xf32>,
    %swap3A_47 = vector.shape_cast %swap3A_46 : vector<16xf32> to vector<16xf32>
    %swap3A_48 = vector.shape_cast %broadcast_in_dim3A_44 : vector<16xf32> to vector<16xf32>
    tpu.vector_store %arg6[%swap3A_45], %swap3A_48 {strides = array<i32>} : memref<128xf32, #tpu.memory_space<vmem>>, vector<16xf32>,
    %barrier3A = arith.constant 0 : index
    tpu.barrier barrier_id(%barrier3A)
    %scan3A = arith.constant 0 : i32
    %scan3A_49 = arith.constant 0 : i32
    %scan3A_50 = arith.constant 10 : i32
    %scan3A_51 = arith.addi %scan3A_49, %scan3A_50 : i32
    %scan3A_52 = arith.constant 1 : i32
    scf.for %scan3A_59 = %scan3A_49 to %scan3A_51 step %scan3A_52  : i32 {
      %mul3A_60 = arith.constant 8 : i32
      %mul3A_61 = arith.muli %scan3A_59, %mul3A_60 : i32
      %add3A_62 = arith.constant 0 : i32
      %add3A_63 = arith.addi %mul3A_61, %add3A_62 : i32
      %dma_start3A = arith.constant 0 : i32
      %dma_start3A_64 = tpu.memref_slice %arg5[%add3A_63, %dma_start3A] : memref<80x128xi32, #tpu.memory_space<vmem>> -> memref<1x128xi32, #tpu.memory_space<vmem>>
      %dma_start3A_65 = tpu.memref_squeeze %dma_start3A_64 : memref<1x128xi32, #tpu.memory_space<vmem>> -> memref<128xi32, #tpu.memory_space<vmem>>
      %dma_start3A_66 = arith.constant 0 : i32
      %dma_start3A_67 = tpu.memref_slice %arg7[%dma_start3A_66] : memref<10240xf32, #tpu.memory_space<vmem_shared>> -> memref<10240xf32, #tpu.memory_space<vmem_shared>>
      tpu.enqueue_indirect_dma source(%arg6 : memref<128xf32, #tpu.memory_space<vmem>>) target(%dma_start3A_67 : memref<10240xf32, #tpu.memory_space<vmem_shared>>) offsets(%dma_start3A_65 : memref<128xi32, #tpu.memory_space<vmem>>) semaphore(%arg8 : memref<!tpu.dma_semaphore, #tpu.memory_space<semaphore_mem>>) {add = true}
      %mul3A_68 = arith.constant 8 : i32
      %mul3A_69 = arith.muli %scan3A_59, %mul3A_68 : i32
      %add3A_70 = arith.constant 1 : i32
      %add3A_71 = arith.addi %mul3A_69, %add3A_70 : i32
      %dma_start3A_72 = arith.constant 0 : i32
      %dma_start3A_73 = tpu.memref_slice %arg5[%add3A_71, %dma_start3A_72] : memref<80x128xi32, #tpu.memory_space<vmem>> -> memref<1x128xi32, #tpu.memory_space<vmem>>
      %dma_start3A_74 = tpu.memref_squeeze %dma_start3A_73 : memref<1x128xi32, #tpu.memory_space<vmem>> -> memref<128xi32, #tpu.memory_space<vmem>>
      %dma_start3A_75 = arith.constant 0 : i32
      %dma_start3A_76 = tpu.memref_slice %arg7[%dma_start3A_75] : memref<10240xf32, #tpu.memory_space<vmem_shared>> -> memref<10240xf32, #tpu.memory_space<vmem_shared>>
      tpu.enqueue_indirect_dma source(%arg6 : memref<128xf32, #tpu.memory_space<vmem>>) target(%dma_start3A_76 : memref<10240xf32, #tpu.memory_space<vmem_shared>>) offsets(%dma_start3A_74 : memref<128xi32, #tpu.memory_space<vmem>>) semaphore(%arg8 : memref<!tpu.dma_semaphore, #tpu.memory_space<semaphore_mem>>) {add = true}
      %mul3A_77 = arith.constant 8 : i32
      %mul3A_78 = arith.muli %scan3A_59, %mul3A_77 : i32
      %add3A_79 = arith.constant 2 : i32
      %add3A_80 = arith.addi %mul3A_78, %add3A_79 : i32
      %dma_start3A_81 = arith.constant 0 : i32
      %dma_start3A_82 = tpu.memref_slice %arg5[%add3A_80, %dma_start3A_81] : memref<80x128xi32, #tpu.memory_space<vmem>> -> memref<1x128xi32, #tpu.memory_space<vmem>>
      %dma_start3A_83 = tpu.memref_squeeze %dma_start3A_82 : memref<1x128xi32, #tpu.memory_space<vmem>> -> memref<128xi32, #tpu.memory_space<vmem>>
      %dma_start3A_84 = arith.constant 0 : i32
      %dma_start3A_85 = tpu.memref_slice %arg7[%dma_start3A_84] : memref<10240xf32, #tpu.memory_space<vmem_shared>> -> memref<10240xf32, #tpu.memory_space<vmem_shared>>
      tpu.enqueue_indirect_dma source(%arg6 : memref<128xf32, #tpu.memory_space<vmem>>) target(%dma_start3A_85 : memref<10240xf32, #tpu.memory_space<vmem_shared>>) offsets(%dma_start3A_83 : memref<128xi32, #tpu.memory_space<vmem>>) semaphore(%arg8 : memref<!tpu.dma_semaphore, #tpu.memory_space<semaphore_mem>>) {add = true}
      %mul3A_86 = arith.constant 8 : i32
      %mul3A_87 = arith.muli %scan3A_59, %mul3A_86 : i32
      %add3A_88 = arith.constant 3 : i32
      %add3A_89 = arith.addi %mul3A_87, %add3A_88 : i32
      %dma_start3A_90 = arith.constant 0 : i32
      %dma_start3A_91 = tpu.memref_slice %arg5[%add3A_89, %dma_start3A_90] : memref<80x128xi32, #tpu.memory_space<vmem>> -> memref<1x128xi32, #tpu.memory_space<vmem>>
      %dma_start3A_92 = tpu.memref_squeeze %dma_start3A_91 : memref<1x128xi32, #tpu.memory_space<vmem>> -> memref<128xi32, #tpu.memory_space<vmem>>
      %dma_start3A_93 = arith.constant 0 : i32
      %dma_start3A_94 = tpu.memref_slice %arg7[%dma_start3A_93] : memref<10240xf32, #tpu.memory_space<vmem_shared>> -> memref<10240xf32, #tpu.memory_space<vmem_shared>>
      tpu.enqueue_indirect_dma source(%arg6 : memref<128xf32, #tpu.memory_space<vmem>>) target(%dma_start3A_94 : memref<10240xf32, #tpu.memory_space<vmem_shared>>) offsets(%dma_start3A_92 : memref<128xi32, #tpu.memory_space<vmem>>) semaphore(%arg8 : memref<!tpu.dma_semaphore, #tpu.memory_space<semaphore_mem>>) {add = true}
      %mul3A_95 = arith.constant 8 : i32
      %mul3A_96 = arith.muli %scan3A_59, %mul3A_95 : i32
      %add3A_97 = arith.constant 4 : i32
      %add3A_98 = arith.addi %mul3A_96, %add3A_97 : i32
      %dma_start3A_99 = arith.constant 0 : i32
      %dma_start3A_100 = tpu.memref_slice %arg5[%add3A_98, %dma_start3A_99] : memref<80x128xi32, #tpu.memory_space<vmem>> -> memref<1x128xi32, #tpu.memory_space<vmem>>
      %dma_start3A_101 = tpu.memref_squeeze %dma_start3A_100 : memref<1x128xi32, #tpu.memory_space<vmem>> -> memref<128xi32, #tpu.memory_space<vmem>>
      %dma_start3A_102 = arith.constant 0 : i32
      %dma_start3A_103 = tpu.memref_slice %arg7[%dma_start3A_102] : memref<10240xf32, #tpu.memory_space<vmem_shared>> -> memref<10240xf32, #tpu.memory_space<vmem_shared>>
      tpu.enqueue_indirect_dma source(%arg6 : memref<128xf32, #tpu.memory_space<vmem>>) target(%dma_start3A_103 : memref<10240xf32, #tpu.memory_space<vmem_shared>>) offsets(%dma_start3A_101 : memref<128xi32, #tpu.memory_space<vmem>>) semaphore(%arg8 : memref<!tpu.dma_semaphore, #tpu.memory_space<semaphore_mem>>) {add = true}
      %mul3A_104 = arith.constant 8 : i32
      %mul3A_105 = arith.muli %scan3A_59, %mul3A_104 : i32
      %add3A_106 = arith.constant 5 : i32
      %add3A_107 = arith.addi %mul3A_105, %add3A_106 : i32
      %dma_start3A_108 = arith.constant 0 : i32
      %dma_start3A_109 = tpu.memref_slice %arg5[%add3A_107, %dma_start3A_108] : memref<80x128xi32, #tpu.memory_space<vmem>> -> memref<1x128xi32, #tpu.memory_space<vmem>>
      %dma_start3A_110 = tpu.memref_squeeze %dma_start3A_109 : memref<1x128xi32, #tpu.memory_space<vmem>> -> memref<128xi32, #tpu.memory_space<vmem>>
      %dma_start3A_111 = arith.constant 0 : i32
      %dma_start3A_112 = tpu.memref_slice %arg7[%dma_start3A_111] : memref<10240xf32, #tpu.memory_space<vmem_shared>> -> memref<10240xf32, #tpu.memory_space<vmem_shared>>
      tpu.enqueue_indirect_dma source(%arg6 : memref<128xf32, #tpu.memory_space<vmem>>) target(%dma_start3A_112 : memref<10240xf32, #tpu.memory_space<vmem_shared>>) offsets(%dma_start3A_110 : memref<128xi32, #tpu.memory_space<vmem>>) semaphore(%arg8 : memref<!tpu.dma_semaphore, #tpu.memory_space<semaphore_mem>>) {add = true}
      %mul3A_113 = arith.constant 8 : i32
      %mul3A_114 = arith.muli %scan3A_59, %mul3A_113 : i32
      %add3A_115 = arith.constant 6 : i32
      %add3A_116 = arith.addi %mul3A_114, %add3A_115 : i32
      %dma_start3A_117 = arith.constant 0 : i32
      %dma_start3A_118 = tpu.memref_slice %arg5[%add3A_116, %dma_start3A_117] : memref<80x128xi32, #tpu.memory_space<vmem>> -> memref<1x128xi32, #tpu.memory_space<vmem>>
      %dma_start3A_119 = tpu.memref_squeeze %dma_start3A_118 : memref<1x128xi32, #tpu.memory_space<vmem>> -> memref<128xi32, #tpu.memory_space<vmem>>
      %dma_start3A_120 = arith.constant 0 : i32
      %dma_start3A_121 = tpu.memref_slice %arg7[%dma_start3A_120] : memref<10240xf32, #tpu.memory_space<vmem_shared>> -> memref<10240xf32, #tpu.memory_space<vmem_shared>>
      tpu.enqueue_indirect_dma source(%arg6 : memref<128xf32, #tpu.memory_space<vmem>>) target(%dma_start3A_121 : memref<10240xf32, #tpu.memory_space<vmem_shared>>) offsets(%dma_start3A_119 : memref<128xi32, #tpu.memory_space<vmem>>) semaphore(%arg8 : memref<!tpu.dma_semaphore, #tpu.memory_space<semaphore_mem>>) {add = true}
      %mul3A_122 = arith.constant 8 : i32
      %mul3A_123 = arith.muli %scan3A_59, %mul3A_122 : i32
      %add3A_124 = arith.constant 7 : i32
      %add3A_125 = arith.addi %mul3A_123, %add3A_124 : i32
      %dma_start3A_126 = arith.constant 0 : i32
      %dma_start3A_127 = tpu.memref_slice %arg5[%add3A_125, %dma_start3A_126] : memref<80x128xi32, #tpu.memory_space<vmem>> -> memref<1x128xi32, #tpu.memory_space<vmem>>
      %dma_start3A_128 = tpu.memref_squeeze %dma_start3A_127 : memref<1x128xi32, #tpu.memory_space<vmem>> -> memref<128xi32, #tpu.memory_space<vmem>>
      %dma_start3A_129 = arith.constant 0 : i32
      %dma_start3A_130 = tpu.memref_slice %arg7[%dma_start3A_129] : memref<10240xf32, #tpu.memory_space<vmem_shared>> -> memref<10240xf32, #tpu.memory_space<vmem_shared>>
      tpu.enqueue_indirect_dma source(%arg6 : memref<128xf32, #tpu.memory_space<vmem>>) target(%dma_start3A_130 : memref<10240xf32, #tpu.memory_space<vmem_shared>>) offsets(%dma_start3A_128 : memref<128xi32, #tpu.memory_space<vmem>>) semaphore(%arg8 : memref<!tpu.dma_semaphore, #tpu.memory_space<semaphore_mem>>) {add = true}
      %mul3A_131 = arith.constant 8 : i32
      %mul3A_132 = arith.muli %scan3A_59, %mul3A_131 : i32
      %add3A_133 = arith.constant 0 : i32
      %add3A_134 = arith.addi %mul3A_132, %add3A_133 : i32
      %dma_wait3A = arith.constant 0 : i32
      %dma_wait3A_135 = tpu.memref_slice %arg5[%add3A_134, %dma_wait3A] : memref<80x128xi32, #tpu.memory_space<vmem>> -> memref<1x128xi32, #tpu.memory_space<vmem>>
      %dma_wait3A_136 = tpu.memref_squeeze %dma_wait3A_135 : memref<1x128xi32, #tpu.memory_space<vmem>> -> memref<128xi32, #tpu.memory_space<vmem>>
      %dma_wait3A_137 = arith.constant 0 : i32
      %dma_wait3A_138 = tpu.memref_slice %arg7[%dma_wait3A_137] : memref<10240xf32, #tpu.memory_space<vmem_shared>> -> memref<10240xf32, #tpu.memory_space<vmem_shared>>
      tpu.wait_indirect_dma semaphore(%arg8 : memref<!tpu.dma_semaphore, #tpu.memory_space<semaphore_mem>>) src(%arg6 : memref<128xf32, #tpu.memory_space<vmem>>) dst(%dma_wait3A_138 : memref<10240xf32, #tpu.memory_space<vmem_shared>>)
      %mul3A_139 = arith.constant 8 : i32
      %mul3A_140 = arith.muli %scan3A_59, %mul3A_139 : i32
      %add3A_141 = arith.constant 1 : i32
      %add3A_142 = arith.addi %mul3A_140, %add3A_141 : i32
      %dma_wait3A_143 = arith.constant 0 : i32
      %dma_wait3A_144 = tpu.memref_slice %arg5[%add3A_142, %dma_wait3A_143] : memref<80x128xi32, #tpu.memory_space<vmem>> -> memref<1x128xi32, #tpu.memory_space<vmem>>
      %dma_wait3A_145 = tpu.memref_squeeze %dma_wait3A_144 : memref<1x128xi32, #tpu.memory_space<vmem>> -> memref<128xi32, #tpu.memory_space<vmem>>
      %dma_wait3A_146 = arith.constant 0 : i32
      %dma_wait3A_147 = tpu.memref_slice %arg7[%dma_wait3A_146] : memref<10240xf32, #tpu.memory_space<vmem_shared>> -> memref<10240xf32, #tpu.memory_space<vmem_shared>>
      tpu.wait_indirect_dma semaphore(%arg8 : memref<!tpu.dma_semaphore, #tpu.memory_space<semaphore_mem>>) src(%arg6 : memref<128xf32, #tpu.memory_space<vmem>>) dst(%dma_wait3A_147 : memref<10240xf32, #tpu.memory_space<vmem_shared>>)
      %mul3A_148 = arith.constant 8 : i32
      %mul3A_149 = arith.muli %scan3A_59, %mul3A_148 : i32
      %add3A_150 = arith.constant 2 : i32
      %add3A_151 = arith.addi %mul3A_149, %add3A_150 : i32
      %dma_wait3A_152 = arith.constant 0 : i32
      %dma_wait3A_153 = tpu.memref_slice %arg5[%add3A_151, %dma_wait3A_152] : memref<80x128xi32, #tpu.memory_space<vmem>> -> memref<1x128xi32, #tpu.memory_space<vmem>>
      %dma_wait3A_154 = tpu.memref_squeeze %dma_wait3A_153 : memref<1x128xi32, #tpu.memory_space<vmem>> -> memref<128xi32, #tpu.memory_space<vmem>>
      %dma_wait3A_155 = arith.constant 0 : i32
      %dma_wait3A_156 = tpu.memref_slice %arg7[%dma_wait3A_155] : memref<10240xf32, #tpu.memory_space<vmem_shared>> -> memref<10240xf32, #tpu.memory_space<vmem_shared>>
      tpu.wait_indirect_dma semaphore(%arg8 : memref<!tpu.dma_semaphore, #tpu.memory_space<semaphore_mem>>) src(%arg6 : memref<128xf32, #tpu.memory_space<vmem>>) dst(%dma_wait3A_156 : memref<10240xf32, #tpu.memory_space<vmem_shared>>)
      %mul3A_157 = arith.constant 8 : i32
      %mul3A_158 = arith.muli %scan3A_59, %mul3A_157 : i32
      %add3A_159 = arith.constant 3 : i32
      %add3A_160 = arith.addi %mul3A_158, %add3A_159 : i32
      %dma_wait3A_161 = arith.constant 0 : i32
      %dma_wait3A_162 = tpu.memref_slice %arg5[%add3A_160, %dma_wait3A_161] : memref<80x128xi32, #tpu.memory_space<vmem>> -> memref<1x128xi32, #tpu.memory_space<vmem>>
      %dma_wait3A_163 = tpu.memref_squeeze %dma_wait3A_162 : memref<1x128xi32, #tpu.memory_space<vmem>> -> memref<128xi32, #tpu.memory_space<vmem>>
      %dma_wait3A_164 = arith.constant 0 : i32
      %dma_wait3A_165 = tpu.memref_slice %arg7[%dma_wait3A_164] : memref<10240xf32, #tpu.memory_space<vmem_shared>> -> memref<10240xf32, #tpu.memory_space<vmem_shared>>
      tpu.wait_indirect_dma semaphore(%arg8 : memref<!tpu.dma_semaphore, #tpu.memory_space<semaphore_mem>>) src(%arg6 : memref<128xf32, #tpu.memory_space<vmem>>) dst(%dma_wait3A_165 : memref<10240xf32, #tpu.memory_space<vmem_shared>>)
      %mul3A_166 = arith.constant 8 : i32
      %mul3A_167 = arith.muli %scan3A_59, %mul3A_166 : i32
      %add3A_168 = arith.constant 4 : i32
      %add3A_169 = arith.addi %mul3A_167, %add3A_168 : i32
      %dma_wait3A_170 = arith.constant 0 : i32
      %dma_wait3A_171 = tpu.memref_slice %arg5[%add3A_169, %dma_wait3A_170] : memref<80x128xi32, #tpu.memory_space<vmem>> -> memref<1x128xi32, #tpu.memory_space<vmem>>
      %dma_wait3A_172 = tpu.memref_squeeze %dma_wait3A_171 : memref<1x128xi32, #tpu.memory_space<vmem>> -> memref<128xi32, #tpu.memory_space<vmem>>
      %dma_wait3A_173 = arith.constant 0 : i32
      %dma_wait3A_174 = tpu.memref_slice %arg7[%dma_wait3A_173] : memref<10240xf32, #tpu.memory_space<vmem_shared>> -> memref<10240xf32, #tpu.memory_space<vmem_shared>>
      tpu.wait_indirect_dma semaphore(%arg8 : memref<!tpu.dma_semaphore, #tpu.memory_space<semaphore_mem>>) src(%arg6 : memref<128xf32, #tpu.memory_space<vmem>>) dst(%dma_wait3A_174 : memref<10240xf32, #tpu.memory_space<vmem_shared>>)
      %mul3A_175 = arith.constant 8 : i32
      %mul3A_176 = arith.muli %scan3A_59, %mul3A_175 : i32
      %add3A_177 = arith.constant 5 : i32
      %add3A_178 = arith.addi %mul3A_176, %add3A_177 : i32
      %dma_wait3A_179 = arith.constant 0 : i32
      %dma_wait3A_180 = tpu.memref_slice %arg5[%add3A_178, %dma_wait3A_179] : memref<80x128xi32, #tpu.memory_space<vmem>> -> memref<1x128xi32, #tpu.memory_space<vmem>>
      %dma_wait3A_181 = tpu.memref_squeeze %dma_wait3A_180 : memref<1x128xi32, #tpu.memory_space<vmem>> -> memref<128xi32, #tpu.memory_space<vmem>>
      %dma_wait3A_182 = arith.constant 0 : i32
      %dma_wait3A_183 = tpu.memref_slice %arg7[%dma_wait3A_182] : memref<10240xf32, #tpu.memory_space<vmem_shared>> -> memref<10240xf32, #tpu.memory_space<vmem_shared>>
      tpu.wait_indirect_dma semaphore(%arg8 : memref<!tpu.dma_semaphore, #tpu.memory_space<semaphore_mem>>) src(%arg6 : memref<128xf32, #tpu.memory_space<vmem>>) dst(%dma_wait3A_183 : memref<10240xf32, #tpu.memory_space<vmem_shared>>)
      %mul3A_184 = arith.constant 8 : i32
      %mul3A_185 = arith.muli %scan3A_59, %mul3A_184 : i32
      %add3A_186 = arith.constant 6 : i32
      %add3A_187 = arith.addi %mul3A_185, %add3A_186 : i32
      %dma_wait3A_188 = arith.constant 0 : i32
      %dma_wait3A_189 = tpu.memref_slice %arg5[%add3A_187, %dma_wait3A_188] : memref<80x128xi32, #tpu.memory_space<vmem>> -> memref<1x128xi32, #tpu.memory_space<vmem>>
      %dma_wait3A_190 = tpu.memref_squeeze %dma_wait3A_189 : memref<1x128xi32, #tpu.memory_space<vmem>> -> memref<128xi32, #tpu.memory_space<vmem>>
      %dma_wait3A_191 = arith.constant 0 : i32
      %dma_wait3A_192 = tpu.memref_slice %arg7[%dma_wait3A_191] : memref<10240xf32, #tpu.memory_space<vmem_shared>> -> memref<10240xf32, #tpu.memory_space<vmem_shared>>
      tpu.wait_indirect_dma semaphore(%arg8 : memref<!tpu.dma_semaphore, #tpu.memory_space<semaphore_mem>>) src(%arg6 : memref<128xf32, #tpu.memory_space<vmem>>) dst(%dma_wait3A_192 : memref<10240xf32, #tpu.memory_space<vmem_shared>>)
      %mul3A_193 = arith.constant 8 : i32
      %mul3A_194 = arith.muli %scan3A_59, %mul3A_193 : i32
      %add3A_195 = arith.constant 7 : i32
      %add3A_196 = arith.addi %mul3A_194, %add3A_195 : i32
      %dma_wait3A_197 = arith.constant 0 : i32
      %dma_wait3A_198 = tpu.memref_slice %arg5[%add3A_196, %dma_wait3A_197] : memref<80x128xi32, #tpu.memory_space<vmem>> -> memref<1x128xi32, #tpu.memory_space<vmem>>
      %dma_wait3A_199 = tpu.memref_squeeze %dma_wait3A_198 : memref<1x128xi32, #tpu.memory_space<vmem>> -> memref<128xi32, #tpu.memory_space<vmem>>
      %dma_wait3A_200 = arith.constant 0 : i32
      %dma_wait3A_201 = tpu.memref_slice %arg7[%dma_wait3A_200] : memref<10240xf32, #tpu.memory_space<vmem_shared>> -> memref<10240xf32, #tpu.memory_space<vmem_shared>>
      tpu.wait_indirect_dma semaphore(%arg8 : memref<!tpu.dma_semaphore, #tpu.memory_space<semaphore_mem>>) src(%arg6 : memref<128xf32, #tpu.memory_space<vmem>>) dst(%dma_wait3A_201 : memref<10240xf32, #tpu.memory_space<vmem_shared>>)
    }
    %scan3A_53 = arith.constant 10 : i32
    %barrier3A_54 = arith.constant 0 : index
    tpu.barrier barrier_id(%barrier3A_54)
    %mul3A_55 = arith.constant 10240 : i32
    %mul3A_56 = arith.muli %arg0, %mul3A_55 : i32
    %add3A_57 = arith.addi %mul3A_56, %multiple_of3A : i32
    %multiple_of3A_58 = tpu.assume_multiple %add3A_57, 8 : i32
    "tpu.region"() ({
      %run_scoped3A = tpu.sem_alloc : memref<!tpu.dma_semaphore, #tpu.memory_space<semaphore_mem>>
      %dma_start3A = tpu.memref_slice %arg4[%multiple_of3A_58] : memref<20480xf32, #tpu.memory_space<hbm>> -> memref<640xf32, #tpu.memory_space<hbm>>
      %dma_start3A_59 = tpu.memref_slice %arg7[%multiple_of3A] : memref<10240xf32, #tpu.memory_space<vmem_shared>> -> memref<640xf32, #tpu.memory_space<vmem_shared>>
      tpu.enqueue_dma source(%dma_start3A_59 : memref<640xf32, #tpu.memory_space<vmem_shared>>) target(%dma_start3A : memref<640xf32, #tpu.memory_space<hbm>>) target_semaphore(%run_scoped3A : memref<!tpu.dma_semaphore, #tpu.memory_space<semaphore_mem>>)
      %dma_wait3A = tpu.memref_slice %arg4[%multiple_of3A_58] : memref<20480xf32, #tpu.memory_space<hbm>> -> memref<640xf32, #tpu.memory_space<hbm>>
      %dma_wait3A_60 = tpu.memref_slice %arg7[%multiple_of3A] : memref<10240xf32, #tpu.memory_space<vmem_shared>> -> memref<640xf32, #tpu.memory_space<vmem_shared>>
      tpu.wait_dma2 semaphore(%run_scoped3A : memref<!tpu.dma_semaphore, #tpu.memory_space<semaphore_mem>>) src(%dma_wait3A_60 : memref<640xf32, #tpu.memory_space<vmem_shared>>) dst(%dma_wait3A : memref<640xf32, #tpu.memory_space<hbm>>)
      tpu.yield
    }) : () -> ()
    return
  }
}

#map = affine_map<(d0, d1) -> (0, 0, 0, 0)>
#map1 = affine_map<(d0, d1) -> (0, 0)>
#map2 = affine_map<(d0, d1) -> (0, 0, 0)>
module attributes {stable_mosaic.version = 14 : i64} {
  func.func @_edge_kernel(%arg0: i32, %arg1: i32, %arg2: memref<32x90x2x112xi32, #tpu.memory_space<hbm>>, %arg3: memref<10240x128xf32, #tpu.memory_space<hbm>>, %arg4: memref<640x128xf32, #tpu.memory_space<hbm>>, %arg5: memref<2x10240x128xf32, #tpu.memory_space<hbm>>, %arg6: memref<2x112xi32, #tpu.memory_space<vmem>>, %arg7: memref<2x112xi32, #tpu.memory_space<vmem>>, %arg8: memref<2x112xi32, #tpu.memory_space<vmem>>, %arg9: memref<112x128xf32, #tpu.memory_space<vmem>>, %arg10: memref<112x128xf32, #tpu.memory_space<vmem>>, %arg11: memref<112x128xf32, #tpu.memory_space<vmem>>, %arg12: memref<10240x128xf32, #tpu.memory_space<vmem_shared>>, %arg13: memref<!tpu.dma_semaphore, #tpu.memory_space<semaphore_mem>>, %arg14: memref<!tpu.dma_semaphore, #tpu.memory_space<semaphore_mem>>, %arg15: memref<!tpu.dma_semaphore, #tpu.memory_space<semaphore_mem>>, %arg16: memref<!tpu.dma_semaphore, #tpu.memory_space<semaphore_mem>>, %arg17: memref<!tpu.dma_semaphore, #tpu.memory_space<semaphore_mem>>, %arg18: memref<!tpu.dma_semaphore, #tpu.memory_space<semaphore_mem>>) attributes {dimension_semantics = [#tpu.dimension_semantics<core_parallel>, #tpu.dimension_semantics<subcore_parallel>], iteration_bounds = array<i64: 2, 16>, scalar_prefetch = 0 : i64, scratch_operands = 13 : i64, tpu.core_type = #tpu.core_type<sc_vector_subcore>, window_params = [{transform_indices = #map}, {transform_indices = #map1}, {transform_indices = #map1}, {transform_indices = #map2}]} {
    %mul3A = arith.constant 16 : i32
    %mul3A_0 = arith.muli %arg0, %mul3A : i32
    %add3A = arith.addi %mul3A_0, %arg1 : i32
    %mul3A_1 = arith.constant 640 : i32
    %mul3A_2 = arith.muli %arg1, %mul3A_1 : i32
    %multiple_of3A = tpu.assume_multiple %mul3A_2, 8 : i32
    "tpu.region"() ({
      %run_scoped3A_54 = tpu.sem_alloc : memref<!tpu.dma_semaphore, #tpu.memory_space<semaphore_mem>>
      %dma_start3A_55 = arith.constant 0 : i32
      %dma_start3A_56 = tpu.memref_slice %arg12[%multiple_of3A, %dma_start3A_55] : memref<10240x128xf32, #tpu.memory_space<vmem_shared>> -> memref<640x128xf32, #tpu.memory_space<vmem_shared>>
      tpu.enqueue_dma source(%arg4 : memref<640x128xf32, #tpu.memory_space<hbm>>) target(%dma_start3A_56 : memref<640x128xf32, #tpu.memory_space<vmem_shared>>) target_semaphore(%run_scoped3A_54 : memref<!tpu.dma_semaphore, #tpu.memory_space<semaphore_mem>>)
      %dma_wait3A_57 = arith.constant 0 : i32
      %dma_wait3A_58 = tpu.memref_slice %arg12[%multiple_of3A, %dma_wait3A_57] : memref<10240x128xf32, #tpu.memory_space<vmem_shared>> -> memref<640x128xf32, #tpu.memory_space<vmem_shared>>
      tpu.wait_dma2 semaphore(%run_scoped3A_54 : memref<!tpu.dma_semaphore, #tpu.memory_space<semaphore_mem>>) src(%arg4 : memref<640x128xf32, #tpu.memory_space<hbm>>) dst(%dma_wait3A_58 : memref<640x128xf32, #tpu.memory_space<vmem_shared>>)
      tpu.yield
    }) : () -> ()
    %run_scoped3A = arith.constant 0 : i32
    "tpu.region"() ({
      %run_scoped3A_54 = tpu.sem_alloc : memref<!tpu.dma_semaphore, #tpu.memory_space<semaphore_mem>>
      %dma_start3A_55 = arith.constant 0 : i32
      %dma_start3A_56 = arith.constant 0 : i32
      %dma_start3A_57 = tpu.memref_slice %arg2[%add3A, %run_scoped3A, %dma_start3A_55, %dma_start3A_56] : memref<32x90x2x112xi32, #tpu.memory_space<hbm>> -> memref<1x1x2x112xi32, #tpu.memory_space<hbm>>
      %dma_start3A_58 = tpu.memref_squeeze %dma_start3A_57 : memref<1x1x2x112xi32, #tpu.memory_space<hbm>> -> memref<2x112xi32, #tpu.memory_space<hbm>>
      %dma_start3A_59 = arith.constant 0 : i32
      %dma_start3A_60 = arith.constant 0 : i32
      %dma_start3A_61 = tpu.memref_slice %arg2[%add3A, %run_scoped3A, %dma_start3A_59, %dma_start3A_60] : memref<32x90x2x112xi32, #tpu.memory_space<hbm>> -> memref<1x1x2x112xi32, #tpu.memory_space<hbm>>
      %dma_start3A_62 = tpu.memref_squeeze %dma_start3A_61 : memref<1x1x2x112xi32, #tpu.memory_space<hbm>> -> memref<2x112xi32, #tpu.memory_space<hbm>>
      tpu.enqueue_dma source(%dma_start3A_62 : memref<2x112xi32, #tpu.memory_space<hbm>>) target(%arg6 : memref<2x112xi32, #tpu.memory_space<vmem>>) target_semaphore(%run_scoped3A_54 : memref<!tpu.dma_semaphore, #tpu.memory_space<semaphore_mem>>)
      %dma_wait3A_63 = arith.constant 0 : i32
      %dma_wait3A_64 = arith.constant 0 : i32
      %dma_wait3A_65 = tpu.memref_slice %arg2[%add3A, %run_scoped3A, %dma_wait3A_63, %dma_wait3A_64] : memref<32x90x2x112xi32, #tpu.memory_space<hbm>> -> memref<1x1x2x112xi32, #tpu.memory_space<hbm>>
      %dma_wait3A_66 = tpu.memref_squeeze %dma_wait3A_65 : memref<1x1x2x112xi32, #tpu.memory_space<hbm>> -> memref<2x112xi32, #tpu.memory_space<hbm>>
      %dma_wait3A_67 = arith.constant 0 : i32
      %dma_wait3A_68 = arith.constant 0 : i32
      %dma_wait3A_69 = tpu.memref_slice %arg2[%add3A, %run_scoped3A, %dma_wait3A_67, %dma_wait3A_68] : memref<32x90x2x112xi32, #tpu.memory_space<hbm>> -> memref<1x1x2x112xi32, #tpu.memory_space<hbm>>
      %dma_wait3A_70 = tpu.memref_squeeze %dma_wait3A_69 : memref<1x1x2x112xi32, #tpu.memory_space<hbm>> -> memref<2x112xi32, #tpu.memory_space<hbm>>
      tpu.wait_dma2 semaphore(%run_scoped3A_54 : memref<!tpu.dma_semaphore, #tpu.memory_space<semaphore_mem>>) src(%dma_wait3A_70 : memref<2x112xi32, #tpu.memory_space<hbm>>) dst(%arg6 : memref<2x112xi32, #tpu.memory_space<vmem>>)
      tpu.yield
    }) : () -> ()
    %run_scoped3A_3 = arith.constant 1 : i32
    "tpu.region"() ({
      %run_scoped3A_54 = tpu.sem_alloc : memref<!tpu.dma_semaphore, #tpu.memory_space<semaphore_mem>>
      %dma_start3A_55 = arith.constant 0 : i32
      %dma_start3A_56 = arith.constant 0 : i32
      %dma_start3A_57 = tpu.memref_slice %arg2[%add3A, %run_scoped3A_3, %dma_start3A_55, %dma_start3A_56] : memref<32x90x2x112xi32, #tpu.memory_space<hbm>> -> memref<1x1x2x112xi32, #tpu.memory_space<hbm>>
      %dma_start3A_58 = tpu.memref_squeeze %dma_start3A_57 : memref<1x1x2x112xi32, #tpu.memory_space<hbm>> -> memref<2x112xi32, #tpu.memory_space<hbm>>
      %dma_start3A_59 = arith.constant 0 : i32
      %dma_start3A_60 = arith.constant 0 : i32
      %dma_start3A_61 = tpu.memref_slice %arg2[%add3A, %run_scoped3A_3, %dma_start3A_59, %dma_start3A_60] : memref<32x90x2x112xi32, #tpu.memory_space<hbm>> -> memref<1x1x2x112xi32, #tpu.memory_space<hbm>>
      %dma_start3A_62 = tpu.memref_squeeze %dma_start3A_61 : memref<1x1x2x112xi32, #tpu.memory_space<hbm>> -> memref<2x112xi32, #tpu.memory_space<hbm>>
      tpu.enqueue_dma source(%dma_start3A_62 : memref<2x112xi32, #tpu.memory_space<hbm>>) target(%arg7 : memref<2x112xi32, #tpu.memory_space<vmem>>) target_semaphore(%run_scoped3A_54 : memref<!tpu.dma_semaphore, #tpu.memory_space<semaphore_mem>>)
      %dma_wait3A_63 = arith.constant 0 : i32
      %dma_wait3A_64 = arith.constant 0 : i32
      %dma_wait3A_65 = tpu.memref_slice %arg2[%add3A, %run_scoped3A_3, %dma_wait3A_63, %dma_wait3A_64] : memref<32x90x2x112xi32, #tpu.memory_space<hbm>> -> memref<1x1x2x112xi32, #tpu.memory_space<hbm>>
      %dma_wait3A_66 = tpu.memref_squeeze %dma_wait3A_65 : memref<1x1x2x112xi32, #tpu.memory_space<hbm>> -> memref<2x112xi32, #tpu.memory_space<hbm>>
      %dma_wait3A_67 = arith.constant 0 : i32
      %dma_wait3A_68 = arith.constant 0 : i32
      %dma_wait3A_69 = tpu.memref_slice %arg2[%add3A, %run_scoped3A_3, %dma_wait3A_67, %dma_wait3A_68] : memref<32x90x2x112xi32, #tpu.memory_space<hbm>> -> memref<1x1x2x112xi32, #tpu.memory_space<hbm>>
      %dma_wait3A_70 = tpu.memref_squeeze %dma_wait3A_69 : memref<1x1x2x112xi32, #tpu.memory_space<hbm>> -> memref<2x112xi32, #tpu.memory_space<hbm>>
      tpu.wait_dma2 semaphore(%run_scoped3A_54 : memref<!tpu.dma_semaphore, #tpu.memory_space<semaphore_mem>>) src(%dma_wait3A_70 : memref<2x112xi32, #tpu.memory_space<hbm>>) dst(%arg7 : memref<2x112xi32, #tpu.memory_space<vmem>>)
      tpu.yield
    }) : () -> ()
    %dma_start3A = arith.constant 2 : i32
    %dma_start3A_4 = arith.constant 0 : i32
    %dma_start3A_5 = arith.constant 0 : i32
    %dma_start3A_6 = tpu.memref_slice %arg2[%add3A, %dma_start3A, %dma_start3A_4, %dma_start3A_5] : memref<32x90x2x112xi32, #tpu.memory_space<hbm>> -> memref<1x1x2x112xi32, #tpu.memory_space<hbm>>
    %dma_start3A_7 = tpu.memref_squeeze %dma_start3A_6 : memref<1x1x2x112xi32, #tpu.memory_space<hbm>> -> memref<2x112xi32, #tpu.memory_space<hbm>>
    %dma_start3A_8 = arith.constant 0 : i32
    %dma_start3A_9 = arith.constant 0 : i32
    %dma_start3A_10 = tpu.memref_slice %arg2[%add3A, %dma_start3A, %dma_start3A_8, %dma_start3A_9] : memref<32x90x2x112xi32, #tpu.memory_space<hbm>> -> memref<1x1x2x112xi32, #tpu.memory_space<hbm>>
    %dma_start3A_11 = tpu.memref_squeeze %dma_start3A_10 : memref<1x1x2x112xi32, #tpu.memory_space<hbm>> -> memref<2x112xi32, #tpu.memory_space<hbm>>
    tpu.enqueue_dma source(%dma_start3A_11 : memref<2x112xi32, #tpu.memory_space<hbm>>) target(%arg8 : memref<2x112xi32, #tpu.memory_space<vmem>>) target_semaphore(%arg18 : memref<!tpu.dma_semaphore, #tpu.memory_space<semaphore_mem>>)
    %dma_start3A_12 = arith.constant 0 : i32
    %dma_start3A_13 = arith.constant 0 : i32
    %dma_start3A_14 = tpu.memref_slice %arg6[%dma_start3A_12, %dma_start3A_13] : memref<2x112xi32, #tpu.memory_space<vmem>> -> memref<1x112xi32, #tpu.memory_space<vmem>>
    %dma_start3A_15 = tpu.memref_squeeze %dma_start3A_14 : memref<1x112xi32, #tpu.memory_space<vmem>> -> memref<112xi32, #tpu.memory_space<vmem>>
    %dma_start3A_16 = arith.constant 0 : i32
    %dma_start3A_17 = arith.constant 0 : i32
    %dma_start3A_18 = tpu.memref_slice %arg3[%dma_start3A_16, %dma_start3A_17] : memref<10240x128xf32, #tpu.memory_space<hbm>> -> memref<10240x128xf32, #tpu.memory_space<hbm>>
    tpu.enqueue_indirect_dma source(%dma_start3A_18 : memref<10240x128xf32, #tpu.memory_space<hbm>>) target(%arg9 : memref<112x128xf32, #tpu.memory_space<vmem>>) offsets(%dma_start3A_15 : memref<112xi32, #tpu.memory_space<vmem>>) semaphore(%arg13 : memref<!tpu.dma_semaphore, #tpu.memory_space<semaphore_mem>>)
    %dma_start3A_19 = arith.constant 0 : i32
    %dma_start3A_20 = arith.constant 0 : i32
    %dma_start3A_21 = tpu.memref_slice %arg7[%dma_start3A_19, %dma_start3A_20] : memref<2x112xi32, #tpu.memory_space<vmem>> -> memref<1x112xi32, #tpu.memory_space<vmem>>
    %dma_start3A_22 = tpu.memref_squeeze %dma_start3A_21 : memref<1x112xi32, #tpu.memory_space<vmem>> -> memref<112xi32, #tpu.memory_space<vmem>>
    %dma_start3A_23 = arith.constant 0 : i32
    %dma_start3A_24 = arith.constant 0 : i32
    %dma_start3A_25 = tpu.memref_slice %arg3[%dma_start3A_23, %dma_start3A_24] : memref<10240x128xf32, #tpu.memory_space<hbm>> -> memref<10240x128xf32, #tpu.memory_space<hbm>>
    tpu.enqueue_indirect_dma source(%dma_start3A_25 : memref<10240x128xf32, #tpu.memory_space<hbm>>) target(%arg10 : memref<112x128xf32, #tpu.memory_space<vmem>>) offsets(%dma_start3A_22 : memref<112xi32, #tpu.memory_space<vmem>>) semaphore(%arg14 : memref<!tpu.dma_semaphore, #tpu.memory_space<semaphore_mem>>)
    %barrier3A = arith.constant 0 : index
    tpu.barrier barrier_id(%barrier3A)
    %scan3A = arith.constant 0 : i32
    %scan3A_26 = arith.constant 0 : i32
    %scan3A_27 = arith.constant 30 : i32
    %scan3A_28 = arith.addi %scan3A_26, %scan3A_27 : i32
    %scan3A_29 = arith.constant 1 : i32
    scf.for %scan3A_54 = %scan3A_26 to %scan3A_28 step %scan3A_29  : i32 {
      %mul3A_55 = arith.constant 3 : i32
      %mul3A_56 = arith.muli %mul3A_55, %scan3A_54 : i32
      %add3A_57 = arith.constant 0 : i32
      %add3A_58 = arith.addi %mul3A_56, %add3A_57 : i32
      %dma_wait3A_59 = arith.constant 0 : i32
      %dma_wait3A_60 = arith.constant 0 : i32
      %dma_wait3A_61 = arith.constant 0 : i32
      %dma_wait3A_62 = tpu.memref_slice %arg2[%add3A, %dma_wait3A_59, %dma_wait3A_60, %dma_wait3A_61] : memref<32x90x2x112xi32, #tpu.memory_space<hbm>> -> memref<1x1x2x112xi32, #tpu.memory_space<hbm>>
      %dma_wait3A_63 = tpu.memref_squeeze %dma_wait3A_62 : memref<1x1x2x112xi32, #tpu.memory_space<hbm>> -> memref<2x112xi32, #tpu.memory_space<hbm>>
      %dma_wait3A_64 = arith.constant 0 : i32
      %dma_wait3A_65 = arith.constant 0 : i32
      %dma_wait3A_66 = tpu.memref_slice %arg2[%add3A, %dma_wait3A_59, %dma_wait3A_64, %dma_wait3A_65] : memref<32x90x2x112xi32, #tpu.memory_space<hbm>> -> memref<1x1x2x112xi32, #tpu.memory_space<hbm>>
      %dma_wait3A_67 = tpu.memref_squeeze %dma_wait3A_66 : memref<1x1x2x112xi32, #tpu.memory_space<hbm>> -> memref<2x112xi32, #tpu.memory_space<hbm>>
      tpu.wait_dma2 semaphore(%arg18 : memref<!tpu.dma_semaphore, #tpu.memory_space<semaphore_mem>>) src(%dma_wait3A_67 : memref<2x112xi32, #tpu.memory_space<hbm>>) dst(%arg8 : memref<2x112xi32, #tpu.memory_space<vmem>>)
      %dma_start3A_68 = arith.constant 0 : i32
      %dma_start3A_69 = arith.constant 0 : i32
      %dma_start3A_70 = tpu.memref_slice %arg8[%dma_start3A_68, %dma_start3A_69] : memref<2x112xi32, #tpu.memory_space<vmem>> -> memref<1x112xi32, #tpu.memory_space<vmem>>
      %dma_start3A_71 = tpu.memref_squeeze %dma_start3A_70 : memref<1x112xi32, #tpu.memory_space<vmem>> -> memref<112xi32, #tpu.memory_space<vmem>>
      %dma_start3A_72 = arith.constant 0 : i32
      %dma_start3A_73 = arith.constant 0 : i32
      %dma_start3A_74 = tpu.memref_slice %arg3[%dma_start3A_72, %dma_start3A_73] : memref<10240x128xf32, #tpu.memory_space<hbm>> -> memref<10240x128xf32, #tpu.memory_space<hbm>>
      tpu.enqueue_indirect_dma source(%dma_start3A_74 : memref<10240x128xf32, #tpu.memory_space<hbm>>) target(%arg11 : memref<112x128xf32, #tpu.memory_space<vmem>>) offsets(%dma_start3A_71 : memref<112xi32, #tpu.memory_space<vmem>>) semaphore(%arg15 : memref<!tpu.dma_semaphore, #tpu.memory_space<semaphore_mem>>)
      %dma_wait3A_75 = arith.constant 0 : i32
      %dma_wait3A_76 = arith.constant 0 : i32
      %dma_wait3A_77 = tpu.memref_slice %arg6[%dma_wait3A_75, %dma_wait3A_76] : memref<2x112xi32, #tpu.memory_space<vmem>> -> memref<1x112xi32, #tpu.memory_space<vmem>>
      %dma_wait3A_78 = tpu.memref_squeeze %dma_wait3A_77 : memref<1x112xi32, #tpu.memory_space<vmem>> -> memref<112xi32, #tpu.memory_space<vmem>>
      %dma_wait3A_79 = arith.constant 0 : i32
      %dma_wait3A_80 = arith.constant 0 : i32
      %dma_wait3A_81 = tpu.memref_slice %arg3[%dma_wait3A_79, %dma_wait3A_80] : memref<10240x128xf32, #tpu.memory_space<hbm>> -> memref<10240x128xf32, #tpu.memory_space<hbm>>
      tpu.wait_indirect_dma semaphore(%arg13 : memref<!tpu.dma_semaphore, #tpu.memory_space<semaphore_mem>>) src(%dma_wait3A_81 : memref<10240x128xf32, #tpu.memory_space<hbm>>) dst(%arg9 : memref<112x128xf32, #tpu.memory_space<vmem>>)
      %run_scoped3A_82 = arith.constant 1 : i32
      "tpu.region"() ({
        %run_scoped3A_174 = tpu.sem_alloc : memref<!tpu.dma_semaphore, #tpu.memory_space<semaphore_mem>>
        %dma_start3A_175 = arith.constant 0 : i32
        %dma_start3A_176 = tpu.memref_slice %arg6[%run_scoped3A_82, %dma_start3A_175] : memref<2x112xi32, #tpu.memory_space<vmem>> -> memref<1x112xi32, #tpu.memory_space<vmem>>
        %dma_start3A_177 = tpu.memref_squeeze %dma_start3A_176 : memref<1x112xi32, #tpu.memory_space<vmem>> -> memref<112xi32, #tpu.memory_space<vmem>>
        %dma_start3A_178 = arith.constant 0 : i32
        %dma_start3A_179 = arith.constant 0 : i32
        %dma_start3A_180 = tpu.memref_slice %arg12[%dma_start3A_178, %dma_start3A_179] : memref<10240x128xf32, #tpu.memory_space<vmem_shared>> -> memref<10240x128xf32, #tpu.memory_space<vmem_shared>>
        tpu.enqueue_indirect_dma source(%arg9 : memref<112x128xf32, #tpu.memory_space<vmem>>) target(%dma_start3A_180 : memref<10240x128xf32, #tpu.memory_space<vmem_shared>>) offsets(%dma_start3A_177 : memref<112xi32, #tpu.memory_space<vmem>>) semaphore(%run_scoped3A_174 : memref<!tpu.dma_semaphore, #tpu.memory_space<semaphore_mem>>) {add = true}
        %dma_wait3A_181 = arith.constant 0 : i32
        %dma_wait3A_182 = tpu.memref_slice %arg6[%run_scoped3A_82, %dma_wait3A_181] : memref<2x112xi32, #tpu.memory_space<vmem>> -> memref<1x112xi32, #tpu.memory_space<vmem>>
        %dma_wait3A_183 = tpu.memref_squeeze %dma_wait3A_182 : memref<1x112xi32, #tpu.memory_space<vmem>> -> memref<112xi32, #tpu.memory_space<vmem>>
        %dma_wait3A_184 = arith.constant 0 : i32
        %dma_wait3A_185 = arith.constant 0 : i32
        %dma_wait3A_186 = tpu.memref_slice %arg12[%dma_wait3A_184, %dma_wait3A_185] : memref<10240x128xf32, #tpu.memory_space<vmem_shared>> -> memref<10240x128xf32, #tpu.memory_space<vmem_shared>>
        tpu.wait_indirect_dma semaphore(%run_scoped3A_174 : memref<!tpu.dma_semaphore, #tpu.memory_space<semaphore_mem>>) src(%arg9 : memref<112x128xf32, #tpu.memory_space<vmem>>) dst(%dma_wait3A_186 : memref<10240x128xf32, #tpu.memory_space<vmem_shared>>)
        tpu.yield
      }) : () -> ()
      %add3A_83 = arith.constant 3 : i32
      %add3A_84 = arith.addi %add3A_58, %add3A_83 : i32
      %rem3A = arith.constant 90 : i32
      %rem3A_85 = arith.remsi %add3A_84, %rem3A : i32
      %dma_start3A_86 = arith.constant 0 : i32
      %dma_start3A_87 = arith.constant 0 : i32
      %dma_start3A_88 = tpu.memref_slice %arg2[%add3A, %rem3A_85, %dma_start3A_86, %dma_start3A_87] : memref<32x90x2x112xi32, #tpu.memory_space<hbm>> -> memref<1x1x2x112xi32, #tpu.memory_space<hbm>>
      %dma_start3A_89 = tpu.memref_squeeze %dma_start3A_88 : memref<1x1x2x112xi32, #tpu.memory_space<hbm>> -> memref<2x112xi32, #tpu.memory_space<hbm>>
      %dma_start3A_90 = arith.constant 0 : i32
      %dma_start3A_91 = arith.constant 0 : i32
      %dma_start3A_92 = tpu.memref_slice %arg2[%add3A, %rem3A_85, %dma_start3A_90, %dma_start3A_91] : memref<32x90x2x112xi32, #tpu.memory_space<hbm>> -> memref<1x1x2x112xi32, #tpu.memory_space<hbm>>
      %dma_start3A_93 = tpu.memref_squeeze %dma_start3A_92 : memref<1x1x2x112xi32, #tpu.memory_space<hbm>> -> memref<2x112xi32, #tpu.memory_space<hbm>>
      tpu.enqueue_dma source(%dma_start3A_93 : memref<2x112xi32, #tpu.memory_space<hbm>>) target(%arg6 : memref<2x112xi32, #tpu.memory_space<vmem>>) target_semaphore(%arg16 : memref<!tpu.dma_semaphore, #tpu.memory_space<semaphore_mem>>)
      %mul3A_94 = arith.constant 3 : i32
      %mul3A_95 = arith.muli %mul3A_94, %scan3A_54 : i32
      %add3A_96 = arith.constant 1 : i32
      %add3A_97 = arith.addi %mul3A_95, %add3A_96 : i32
      %dma_wait3A_98 = arith.constant 0 : i32
      %dma_wait3A_99 = arith.constant 0 : i32
      %dma_wait3A_100 = arith.constant 0 : i32
      %dma_wait3A_101 = tpu.memref_slice %arg2[%add3A, %dma_wait3A_98, %dma_wait3A_99, %dma_wait3A_100] : memref<32x90x2x112xi32, #tpu.memory_space<hbm>> -> memref<1x1x2x112xi32, #tpu.memory_space<hbm>>
      %dma_wait3A_102 = tpu.memref_squeeze %dma_wait3A_101 : memref<1x1x2x112xi32, #tpu.memory_space<hbm>> -> memref<2x112xi32, #tpu.memory_space<hbm>>
      %dma_wait3A_103 = arith.constant 0 : i32
      %dma_wait3A_104 = arith.constant 0 : i32
      %dma_wait3A_105 = tpu.memref_slice %arg2[%add3A, %dma_wait3A_98, %dma_wait3A_103, %dma_wait3A_104] : memref<32x90x2x112xi32, #tpu.memory_space<hbm>> -> memref<1x1x2x112xi32, #tpu.memory_space<hbm>>
      %dma_wait3A_106 = tpu.memref_squeeze %dma_wait3A_105 : memref<1x1x2x112xi32, #tpu.memory_space<hbm>> -> memref<2x112xi32, #tpu.memory_space<hbm>>
      tpu.wait_dma2 semaphore(%arg16 : memref<!tpu.dma_semaphore, #tpu.memory_space<semaphore_mem>>) src(%dma_wait3A_106 : memref<2x112xi32, #tpu.memory_space<hbm>>) dst(%arg6 : memref<2x112xi32, #tpu.memory_space<vmem>>)
      %dma_start3A_107 = arith.constant 0 : i32
      %dma_start3A_108 = arith.constant 0 : i32
      %dma_start3A_109 = tpu.memref_slice %arg6[%dma_start3A_107, %dma_start3A_108] : memref<2x112xi32, #tpu.memory_space<vmem>> -> memref<1x112xi32, #tpu.memory_space<vmem>>
      %dma_start3A_110 = tpu.memref_squeeze %dma_start3A_109 : memref<1x112xi32, #tpu.memory_space<vmem>> -> memref<112xi32, #tpu.memory_space<vmem>>
      %dma_start3A_111 = arith.constant 0 : i32
      %dma_start3A_112 = arith.constant 0 : i32
      %dma_start3A_113 = tpu.memref_slice %arg3[%dma_start3A_111, %dma_start3A_112] : memref<10240x128xf32, #tpu.memory_space<hbm>> -> memref<10240x128xf32, #tpu.memory_space<hbm>>
      tpu.enqueue_indirect_dma source(%dma_start3A_113 : memref<10240x128xf32, #tpu.memory_space<hbm>>) target(%arg9 : memref<112x128xf32, #tpu.memory_space<vmem>>) offsets(%dma_start3A_110 : memref<112xi32, #tpu.memory_space<vmem>>) semaphore(%arg13 : memref<!tpu.dma_semaphore, #tpu.memory_space<semaphore_mem>>)
      %dma_wait3A_114 = arith.constant 0 : i32
      %dma_wait3A_115 = arith.constant 0 : i32
      %dma_wait3A_116 = tpu.memref_slice %arg7[%dma_wait3A_114, %dma_wait3A_115] : memref<2x112xi32, #tpu.memory_space<vmem>> -> memref<1x112xi32, #tpu.memory_space<vmem>>
      %dma_wait3A_117 = tpu.memref_squeeze %dma_wait3A_116 : memref<1x112xi32, #tpu.memory_space<vmem>> -> memref<112xi32, #tpu.memory_space<vmem>>
      %dma_wait3A_118 = arith.constant 0 : i32
      %dma_wait3A_119 = arith.constant 0 : i32
      %dma_wait3A_120 = tpu.memref_slice %arg3[%dma_wait3A_118, %dma_wait3A_119] : memref<10240x128xf32, #tpu.memory_space<hbm>> -> memref<10240x128xf32, #tpu.memory_space<hbm>>
      tpu.wait_indirect_dma semaphore(%arg14 : memref<!tpu.dma_semaphore, #tpu.memory_space<semaphore_mem>>) src(%dma_wait3A_120 : memref<10240x128xf32, #tpu.memory_space<hbm>>) dst(%arg10 : memref<112x128xf32, #tpu.memory_space<vmem>>)
      %run_scoped3A_121 = arith.constant 1 : i32
      "tpu.region"() ({
        %run_scoped3A_174 = tpu.sem_alloc : memref<!tpu.dma_semaphore, #tpu.memory_space<semaphore_mem>>
        %dma_start3A_175 = arith.constant 0 : i32
        %dma_start3A_176 = tpu.memref_slice %arg7[%run_scoped3A_121, %dma_start3A_175] : memref<2x112xi32, #tpu.memory_space<vmem>> -> memref<1x112xi32, #tpu.memory_space<vmem>>
        %dma_start3A_177 = tpu.memref_squeeze %dma_start3A_176 : memref<1x112xi32, #tpu.memory_space<vmem>> -> memref<112xi32, #tpu.memory_space<vmem>>
        %dma_start3A_178 = arith.constant 0 : i32
        %dma_start3A_179 = arith.constant 0 : i32
        %dma_start3A_180 = tpu.memref_slice %arg12[%dma_start3A_178, %dma_start3A_179] : memref<10240x128xf32, #tpu.memory_space<vmem_shared>> -> memref<10240x128xf32, #tpu.memory_space<vmem_shared>>
        tpu.enqueue_indirect_dma source(%arg10 : memref<112x128xf32, #tpu.memory_space<vmem>>) target(%dma_start3A_180 : memref<10240x128xf32, #tpu.memory_space<vmem_shared>>) offsets(%dma_start3A_177 : memref<112xi32, #tpu.memory_space<vmem>>) semaphore(%run_scoped3A_174 : memref<!tpu.dma_semaphore, #tpu.memory_space<semaphore_mem>>) {add = true}
        %dma_wait3A_181 = arith.constant 0 : i32
        %dma_wait3A_182 = tpu.memref_slice %arg7[%run_scoped3A_121, %dma_wait3A_181] : memref<2x112xi32, #tpu.memory_space<vmem>> -> memref<1x112xi32, #tpu.memory_space<vmem>>
        %dma_wait3A_183 = tpu.memref_squeeze %dma_wait3A_182 : memref<1x112xi32, #tpu.memory_space<vmem>> -> memref<112xi32, #tpu.memory_space<vmem>>
        %dma_wait3A_184 = arith.constant 0 : i32
        %dma_wait3A_185 = arith.constant 0 : i32
        %dma_wait3A_186 = tpu.memref_slice %arg12[%dma_wait3A_184, %dma_wait3A_185] : memref<10240x128xf32, #tpu.memory_space<vmem_shared>> -> memref<10240x128xf32, #tpu.memory_space<vmem_shared>>
        tpu.wait_indirect_dma semaphore(%run_scoped3A_174 : memref<!tpu.dma_semaphore, #tpu.memory_space<semaphore_mem>>) src(%arg10 : memref<112x128xf32, #tpu.memory_space<vmem>>) dst(%dma_wait3A_186 : memref<10240x128xf32, #tpu.memory_space<vmem_shared>>)
        tpu.yield
      }) : () -> ()
      %add3A_122 = arith.constant 3 : i32
      %add3A_123 = arith.addi %add3A_97, %add3A_122 : i32
      %rem3A_124 = arith.constant 90 : i32
      %rem3A_125 = arith.remsi %add3A_123, %rem3A_124 : i32
      %dma_start3A_126 = arith.constant 0 : i32
      %dma_start3A_127 = arith.constant 0 : i32
      %dma_start3A_128 = tpu.memref_slice %arg2[%add3A, %rem3A_125, %dma_start3A_126, %dma_start3A_127] : memref<32x90x2x112xi32, #tpu.memory_space<hbm>> -> memref<1x1x2x112xi32, #tpu.memory_space<hbm>>
      %dma_start3A_129 = tpu.memref_squeeze %dma_start3A_128 : memref<1x1x2x112xi32, #tpu.memory_space<hbm>> -> memref<2x112xi32, #tpu.memory_space<hbm>>
      %dma_start3A_130 = arith.constant 0 : i32
      %dma_start3A_131 = arith.constant 0 : i32
      %dma_start3A_132 = tpu.memref_slice %arg2[%add3A, %rem3A_125, %dma_start3A_130, %dma_start3A_131] : memref<32x90x2x112xi32, #tpu.memory_space<hbm>> -> memref<1x1x2x112xi32, #tpu.memory_space<hbm>>
      %dma_start3A_133 = tpu.memref_squeeze %dma_start3A_132 : memref<1x1x2x112xi32, #tpu.memory_space<hbm>> -> memref<2x112xi32, #tpu.memory_space<hbm>>
      tpu.enqueue_dma source(%dma_start3A_133 : memref<2x112xi32, #tpu.memory_space<hbm>>) target(%arg7 : memref<2x112xi32, #tpu.memory_space<vmem>>) target_semaphore(%arg17 : memref<!tpu.dma_semaphore, #tpu.memory_space<semaphore_mem>>)
      %mul3A_134 = arith.constant 3 : i32
      %mul3A_135 = arith.muli %mul3A_134, %scan3A_54 : i32
      %add3A_136 = arith.constant 2 : i32
      %add3A_137 = arith.addi %mul3A_135, %add3A_136 : i32
      %dma_wait3A_138 = arith.constant 0 : i32
      %dma_wait3A_139 = arith.constant 0 : i32
      %dma_wait3A_140 = arith.constant 0 : i32
      %dma_wait3A_141 = tpu.memref_slice %arg2[%add3A, %dma_wait3A_138, %dma_wait3A_139, %dma_wait3A_140] : memref<32x90x2x112xi32, #tpu.memory_space<hbm>> -> memref<1x1x2x112xi32, #tpu.memory_space<hbm>>
      %dma_wait3A_142 = tpu.memref_squeeze %dma_wait3A_141 : memref<1x1x2x112xi32, #tpu.memory_space<hbm>> -> memref<2x112xi32, #tpu.memory_space<hbm>>
      %dma_wait3A_143 = arith.constant 0 : i32
      %dma_wait3A_144 = arith.constant 0 : i32
      %dma_wait3A_145 = tpu.memref_slice %arg2[%add3A, %dma_wait3A_138, %dma_wait3A_143, %dma_wait3A_144] : memref<32x90x2x112xi32, #tpu.memory_space<hbm>> -> memref<1x1x2x112xi32, #tpu.memory_space<hbm>>
      %dma_wait3A_146 = tpu.memref_squeeze %dma_wait3A_145 : memref<1x1x2x112xi32, #tpu.memory_space<hbm>> -> memref<2x112xi32, #tpu.memory_space<hbm>>
      tpu.wait_dma2 semaphore(%arg17 : memref<!tpu.dma_semaphore, #tpu.memory_space<semaphore_mem>>) src(%dma_wait3A_146 : memref<2x112xi32, #tpu.memory_space<hbm>>) dst(%arg7 : memref<2x112xi32, #tpu.memory_space<vmem>>)
      %dma_start3A_147 = arith.constant 0 : i32
      %dma_start3A_148 = arith.constant 0 : i32
      %dma_start3A_149 = tpu.memref_slice %arg7[%dma_start3A_147, %dma_start3A_148] : memref<2x112xi32, #tpu.memory_space<vmem>> -> memref<1x112xi32, #tpu.memory_space<vmem>>
      %dma_start3A_150 = tpu.memref_squeeze %dma_start3A_149 : memref<1x112xi32, #tpu.memory_space<vmem>> -> memref<112xi32, #tpu.memory_space<vmem>>
      %dma_start3A_151 = arith.constant 0 : i32
      %dma_start3A_152 = arith.constant 0 : i32
      %dma_start3A_153 = tpu.memref_slice %arg3[%dma_start3A_151, %dma_start3A_152] : memref<10240x128xf32, #tpu.memory_space<hbm>> -> memref<10240x128xf32, #tpu.memory_space<hbm>>
      tpu.enqueue_indirect_dma source(%dma_start3A_153 : memref<10240x128xf32, #tpu.memory_space<hbm>>) target(%arg10 : memref<112x128xf32, #tpu.memory_space<vmem>>) offsets(%dma_start3A_150 : memref<112xi32, #tpu.memory_space<vmem>>) semaphore(%arg14 : memref<!tpu.dma_semaphore, #tpu.memory_space<semaphore_mem>>)
      %dma_wait3A_154 = arith.constant 0 : i32
      %dma_wait3A_155 = arith.constant 0 : i32
      %dma_wait3A_156 = tpu.memref_slice %arg8[%dma_wait3A_154, %dma_wait3A_155] : memref<2x112xi32, #tpu.memory_space<vmem>> -> memref<1x112xi32, #tpu.memory_space<vmem>>
      %dma_wait3A_157 = tpu.memref_squeeze %dma_wait3A_156 : memref<1x112xi32, #tpu.memory_space<vmem>> -> memref<112xi32, #tpu.memory_space<vmem>>
      %dma_wait3A_158 = arith.constant 0 : i32
      %dma_wait3A_159 = arith.constant 0 : i32
      %dma_wait3A_160 = tpu.memref_slice %arg3[%dma_wait3A_158, %dma_wait3A_159] : memref<10240x128xf32, #tpu.memory_space<hbm>> -> memref<10240x128xf32, #tpu.memory_space<hbm>>
      tpu.wait_indirect_dma semaphore(%arg15 : memref<!tpu.dma_semaphore, #tpu.memory_space<semaphore_mem>>) src(%dma_wait3A_160 : memref<10240x128xf32, #tpu.memory_space<hbm>>) dst(%arg11 : memref<112x128xf32, #tpu.memory_space<vmem>>)
      %run_scoped3A_161 = arith.constant 1 : i32
      "tpu.region"() ({
        %run_scoped3A_174 = tpu.sem_alloc : memref<!tpu.dma_semaphore, #tpu.memory_space<semaphore_mem>>
        %dma_start3A_175 = arith.constant 0 : i32
        %dma_start3A_176 = tpu.memref_slice %arg8[%run_scoped3A_161, %dma_start3A_175] : memref<2x112xi32, #tpu.memory_space<vmem>> -> memref<1x112xi32, #tpu.memory_space<vmem>>
        %dma_start3A_177 = tpu.memref_squeeze %dma_start3A_176 : memref<1x112xi32, #tpu.memory_space<vmem>> -> memref<112xi32, #tpu.memory_space<vmem>>
        %dma_start3A_178 = arith.constant 0 : i32
        %dma_start3A_179 = arith.constant 0 : i32
        %dma_start3A_180 = tpu.memref_slice %arg12[%dma_start3A_178, %dma_start3A_179] : memref<10240x128xf32, #tpu.memory_space<vmem_shared>> -> memref<10240x128xf32, #tpu.memory_space<vmem_shared>>
        tpu.enqueue_indirect_dma source(%arg11 : memref<112x128xf32, #tpu.memory_space<vmem>>) target(%dma_start3A_180 : memref<10240x128xf32, #tpu.memory_space<vmem_shared>>) offsets(%dma_start3A_177 : memref<112xi32, #tpu.memory_space<vmem>>) semaphore(%run_scoped3A_174 : memref<!tpu.dma_semaphore, #tpu.memory_space<semaphore_mem>>) {add = true}
        %dma_wait3A_181 = arith.constant 0 : i32
        %dma_wait3A_182 = tpu.memref_slice %arg8[%run_scoped3A_161, %dma_wait3A_181] : memref<2x112xi32, #tpu.memory_space<vmem>> -> memref<1x112xi32, #tpu.memory_space<vmem>>
        %dma_wait3A_183 = tpu.memref_squeeze %dma_wait3A_182 : memref<1x112xi32, #tpu.memory_space<vmem>> -> memref<112xi32, #tpu.memory_space<vmem>>
        %dma_wait3A_184 = arith.constant 0 : i32
        %dma_wait3A_185 = arith.constant 0 : i32
        %dma_wait3A_186 = tpu.memref_slice %arg12[%dma_wait3A_184, %dma_wait3A_185] : memref<10240x128xf32, #tpu.memory_space<vmem_shared>> -> memref<10240x128xf32, #tpu.memory_space<vmem_shared>>
        tpu.wait_indirect_dma semaphore(%run_scoped3A_174 : memref<!tpu.dma_semaphore, #tpu.memory_space<semaphore_mem>>) src(%arg11 : memref<112x128xf32, #tpu.memory_space<vmem>>) dst(%dma_wait3A_186 : memref<10240x128xf32, #tpu.memory_space<vmem_shared>>)
        tpu.yield
      }) : () -> ()
      %add3A_162 = arith.constant 3 : i32
      %add3A_163 = arith.addi %add3A_137, %add3A_162 : i32
      %rem3A_164 = arith.constant 90 : i32
      %rem3A_165 = arith.remsi %add3A_163, %rem3A_164 : i32
      %dma_start3A_166 = arith.constant 0 : i32
      %dma_start3A_167 = arith.constant 0 : i32
      %dma_start3A_168 = tpu.memref_slice %arg2[%add3A, %rem3A_165, %dma_start3A_166, %dma_start3A_167] : memref<32x90x2x112xi32, #tpu.memory_space<hbm>> -> memref<1x1x2x112xi32, #tpu.memory_space<hbm>>
      %dma_start3A_169 = tpu.memref_squeeze %dma_start3A_168 : memref<1x1x2x112xi32, #tpu.memory_space<hbm>> -> memref<2x112xi32, #tpu.memory_space<hbm>>
      %dma_start3A_170 = arith.constant 0 : i32
      %dma_start3A_171 = arith.constant 0 : i32
      %dma_start3A_172 = tpu.memref_slice %arg2[%add3A, %rem3A_165, %dma_start3A_170, %dma_start3A_171] : memref<32x90x2x112xi32, #tpu.memory_space<hbm>> -> memref<1x1x2x112xi32, #tpu.memory_space<hbm>>
      %dma_start3A_173 = tpu.memref_squeeze %dma_start3A_172 : memref<1x1x2x112xi32, #tpu.memory_space<hbm>> -> memref<2x112xi32, #tpu.memory_space<hbm>>
      tpu.enqueue_dma source(%dma_start3A_173 : memref<2x112xi32, #tpu.memory_space<hbm>>) target(%arg8 : memref<2x112xi32, #tpu.memory_space<vmem>>) target_semaphore(%arg18 : memref<!tpu.dma_semaphore, #tpu.memory_space<semaphore_mem>>)
    }
    %scan3A_30 = arith.constant 30 : i32
    %dma_wait3A = arith.constant 0 : i32
    %dma_wait3A_31 = arith.constant 0 : i32
    %dma_wait3A_32 = tpu.memref_slice %arg6[%dma_wait3A, %dma_wait3A_31] : memref<2x112xi32, #tpu.memory_space<vmem>> -> memref<1x112xi32, #tpu.memory_space<vmem>>
    %dma_wait3A_33 = tpu.memref_squeeze %dma_wait3A_32 : memref<1x112xi32, #tpu.memory_space<vmem>> -> memref<112xi32, #tpu.memory_space<vmem>>
    %dma_wait3A_34 = arith.constant 0 : i32
    %dma_wait3A_35 = arith.constant 0 : i32
    %dma_wait3A_36 = tpu.memref_slice %arg3[%dma_wait3A_34, %dma_wait3A_35] : memref<10240x128xf32, #tpu.memory_space<hbm>> -> memref<10240x128xf32, #tpu.memory_space<hbm>>
    tpu.wait_indirect_dma semaphore(%arg13 : memref<!tpu.dma_semaphore, #tpu.memory_space<semaphore_mem>>) src(%dma_wait3A_36 : memref<10240x128xf32, #tpu.memory_space<hbm>>) dst(%arg9 : memref<112x128xf32, #tpu.memory_space<vmem>>)
    %dma_wait3A_37 = arith.constant 0 : i32
    %dma_wait3A_38 = arith.constant 0 : i32
    %dma_wait3A_39 = tpu.memref_slice %arg7[%dma_wait3A_37, %dma_wait3A_38] : memref<2x112xi32, #tpu.memory_space<vmem>> -> memref<1x112xi32, #tpu.memory_space<vmem>>
    %dma_wait3A_40 = tpu.memref_squeeze %dma_wait3A_39 : memref<1x112xi32, #tpu.memory_space<vmem>> -> memref<112xi32, #tpu.memory_space<vmem>>
    %dma_wait3A_41 = arith.constant 0 : i32
    %dma_wait3A_42 = arith.constant 0 : i32
    %dma_wait3A_43 = tpu.memref_slice %arg3[%dma_wait3A_41, %dma_wait3A_42] : memref<10240x128xf32, #tpu.memory_space<hbm>> -> memref<10240x128xf32, #tpu.memory_space<hbm>>
    tpu.wait_indirect_dma semaphore(%arg14 : memref<!tpu.dma_semaphore, #tpu.memory_space<semaphore_mem>>) src(%dma_wait3A_43 : memref<10240x128xf32, #tpu.memory_space<hbm>>) dst(%arg10 : memref<112x128xf32, #tpu.memory_space<vmem>>)
    %dma_wait3A_44 = arith.constant 0 : i32
    %dma_wait3A_45 = arith.constant 0 : i32
    %dma_wait3A_46 = arith.constant 0 : i32
    %dma_wait3A_47 = tpu.memref_slice %arg2[%add3A, %dma_wait3A_44, %dma_wait3A_45, %dma_wait3A_46] : memref<32x90x2x112xi32, #tpu.memory_space<hbm>> -> memref<1x1x2x112xi32, #tpu.memory_space<hbm>>
    %dma_wait3A_48 = tpu.memref_squeeze %dma_wait3A_47 : memref<1x1x2x112xi32, #tpu.memory_space<hbm>> -> memref<2x112xi32, #tpu.memory_space<hbm>>
    %dma_wait3A_49 = arith.constant 0 : i32
    %dma_wait3A_50 = arith.constant 0 : i32
    %dma_wait3A_51 = tpu.memref_slice %arg2[%add3A, %dma_wait3A_44, %dma_wait3A_49, %dma_wait3A_50] : memref<32x90x2x112xi32, #tpu.memory_space<hbm>> -> memref<1x1x2x112xi32, #tpu.memory_space<hbm>>
    %dma_wait3A_52 = tpu.memref_squeeze %dma_wait3A_51 : memref<1x1x2x112xi32, #tpu.memory_space<hbm>> -> memref<2x112xi32, #tpu.memory_space<hbm>>
    tpu.wait_dma2 semaphore(%arg18 : memref<!tpu.dma_semaphore, #tpu.memory_space<semaphore_mem>>) src(%dma_wait3A_52 : memref<2x112xi32, #tpu.memory_space<hbm>>) dst(%arg8 : memref<2x112xi32, #tpu.memory_space<vmem>>)
    %barrier3A_53 = arith.constant 0 : index
    tpu.barrier barrier_id(%barrier3A_53)
    "tpu.region"() ({
      %run_scoped3A_54 = tpu.sem_alloc : memref<!tpu.dma_semaphore, #tpu.memory_space<semaphore_mem>>
      %dma_start3A_55 = arith.constant 0 : i32
      %dma_start3A_56 = tpu.memref_slice %arg5[%arg0, %multiple_of3A, %dma_start3A_55] : memref<2x10240x128xf32, #tpu.memory_space<hbm>> -> memref<1x640x128xf32, #tpu.memory_space<hbm>>
      %dma_start3A_57 = tpu.memref_squeeze %dma_start3A_56 : memref<1x640x128xf32, #tpu.memory_space<hbm>> -> memref<640x128xf32, #tpu.memory_space<hbm>>
      %dma_start3A_58 = arith.constant 0 : i32
      %dma_start3A_59 = tpu.memref_slice %arg12[%multiple_of3A, %dma_start3A_58] : memref<10240x128xf32, #tpu.memory_space<vmem_shared>> -> memref<640x128xf32, #tpu.memory_space<vmem_shared>>
      tpu.enqueue_dma source(%dma_start3A_59 : memref<640x128xf32, #tpu.memory_space<vmem_shared>>) target(%dma_start3A_57 : memref<640x128xf32, #tpu.memory_space<hbm>>) target_semaphore(%run_scoped3A_54 : memref<!tpu.dma_semaphore, #tpu.memory_space<semaphore_mem>>)
      %dma_wait3A_60 = arith.constant 0 : i32
      %dma_wait3A_61 = tpu.memref_slice %arg5[%arg0, %multiple_of3A, %dma_wait3A_60] : memref<2x10240x128xf32, #tpu.memory_space<hbm>> -> memref<1x640x128xf32, #tpu.memory_space<hbm>>
      %dma_wait3A_62 = tpu.memref_squeeze %dma_wait3A_61 : memref<1x640x128xf32, #tpu.memory_space<hbm>> -> memref<640x128xf32, #tpu.memory_space<hbm>>
      %dma_wait3A_63 = arith.constant 0 : i32
      %dma_wait3A_64 = tpu.memref_slice %arg12[%multiple_of3A, %dma_wait3A_63] : memref<10240x128xf32, #tpu.memory_space<vmem_shared>> -> memref<640x128xf32, #tpu.memory_space<vmem_shared>>
      tpu.wait_dma2 semaphore(%run_scoped3A_54 : memref<!tpu.dma_semaphore, #tpu.memory_space<semaphore_mem>>) src(%dma_wait3A_64 : memref<640x128xf32, #tpu.memory_space<vmem_shared>>) dst(%dma_wait3A_62 : memref<640x128xf32, #tpu.memory_space<hbm>>)
      tpu.yield
    }) : () -> ()
    return
  }
}

module attributes {stable_mosaic.version = 14 : i64} {
  func.func @_mm_body(%arg0: memref<10240x128xf32, #tpu.memory_space<vmem>>, %arg1: memref<128x128xf32, #tpu.memory_space<vmem>>, %arg2: memref<10240xf32, #tpu.memory_space<vmem>>, %arg3: memref<10240xf32, #tpu.memory_space<vmem>>, %arg4: memref<10240x128xf32, #tpu.memory_space<vmem>>, %arg5: memref<10240xf32, #tpu.memory_space<vmem>>) attributes {dimension_semantics = [], scalar_prefetch = 0 : i64, scratch_operands = 0 : i64, tpu.core_type = #tpu.core_type<tc>} {
    %get3A = arith.constant 0 : index
    %get3A_0 = vector.load %arg2[%get3A] : memref<10240xf32, #tpu.memory_space<vmem>>, vector<10240xf32>
    %get3A_1 = arith.constant 0 : index
    %get3A_2 = vector.load %arg3[%get3A_1] : memref<10240xf32, #tpu.memory_space<vmem>>, vector<10240xf32>
    %add3A = arith.addf %get3A_0, %get3A_2 : vector<10240xf32>
    %add3A_3 = arith.constant 1.000000e+00 : f32
    %add3A_4 = vector.broadcast %add3A_3 : f32 to vector<10240xf32>
    %add3A_5 = arith.addf %add3A, %add3A_4 : vector<10240xf32>
    %rsqrt3A = math.rsqrt %add3A_5 : vector<10240xf32>
    %get3A_6 = arith.constant 0 : index
    %get3A_7 = arith.constant 0 : index
    %get3A_8 = vector.load %arg0[%get3A_6, %get3A_7] : memref<10240x128xf32, #tpu.memory_space<vmem>>, vector<10240x128xf32>
    %get3A_9 = arith.constant 0 : index
    %get3A_10 = arith.constant 0 : index
    %get3A_11 = vector.load %arg1[%get3A_9, %get3A_10] : memref<128x128xf32, #tpu.memory_space<vmem>>, vector<128x128xf32>
    %dot_general3A = arith.constant dense<0.000000e+00> : vector<10240x128xf32>
    %dot_general3A_12 = tpu.matmul %get3A_8, %get3A_11, %dot_general3A {dimension_numbers = #tpu.dot_dimension_numbers<[1], [0], [0], [1], [0, 0, 1, 1], [], []>, transpose_lhs_hint = false} : vector<10240x128xf32>, vector<128x128xf32>, vector<10240x128xf32> -> vector<10240x128xf32>
    %broadcast_in_dim3A = vector.shape_cast %rsqrt3A : vector<10240xf32> to vector<10240x1xf32>
    %mul3A = vector.broadcast %broadcast_in_dim3A : vector<10240x1xf32> to vector<10240x128xf32>
    %mul3A_13 = arith.mulf %dot_general3A_12, %mul3A : vector<10240x128xf32>
    %swap3A = arith.constant 0 : index
    %swap3A_14 = arith.constant 0 : index
    %swap3A_15 = vector.load %arg4[%swap3A, %swap3A_14] : memref<10240x128xf32, #tpu.memory_space<vmem>>, vector<10240x128xf32>
    tpu.vector_store %arg4[%swap3A, %swap3A_14], %mul3A_13 {strides = array<i32>} : memref<10240x128xf32, #tpu.memory_space<vmem>>, vector<10240x128xf32>,
    %swap3A_16 = arith.constant 0 : index
    %swap3A_17 = vector.load %arg5[%swap3A_16] : memref<10240xf32, #tpu.memory_space<vmem>>, vector<10240xf32>
    tpu.vector_store %arg5[%swap3A_16], %rsqrt3A {strides = array<i32>} : memref<10240xf32, #tpu.memory_space<vmem>>, vector<10240xf32>,
    return
  }
}

module attributes {stable_mosaic.version = 14 : i64} {
  func.func @_final_body(%arg0: memref<2x10240x128xf32, #tpu.memory_space<vmem>>, %arg1: memref<10240x128xf32, #tpu.memory_space<vmem>>, %arg2: memref<10240xf32, #tpu.memory_space<vmem>>, %arg3: memref<128xf32, #tpu.memory_space<vmem>>, %arg4: memref<1xf32, #tpu.memory_space<smem>>, %arg5: memref<10240x128xf32, #tpu.memory_space<vmem>>) attributes {dimension_semantics = [], scalar_prefetch = 0 : i64, scratch_operands = 0 : i64, tpu.core_type = #tpu.core_type<tc>} {
    %get3A = arith.constant 0 : index
    %get3A_0 = arith.constant 0 : index
    %get3A_1 = arith.constant 0 : index
    %get3A_2 = vector.load %arg0[%get3A, %get3A_0, %get3A_1] : memref<2x10240x128xf32, #tpu.memory_space<vmem>>, vector<1x10240x128xf32>
    %get3A_3 = vector.shape_cast %get3A_2 : vector<1x10240x128xf32> to vector<10240x128xf32>
    %get3A_4 = arith.constant 1 : index
    %get3A_5 = arith.constant 0 : index
    %get3A_6 = arith.constant 0 : index
    %get3A_7 = vector.load %arg0[%get3A_4, %get3A_5, %get3A_6] : memref<2x10240x128xf32, #tpu.memory_space<vmem>>, vector<1x10240x128xf32>
    %get3A_8 = vector.shape_cast %get3A_7 : vector<1x10240x128xf32> to vector<10240x128xf32>
    %add3A = arith.addf %get3A_3, %get3A_8 : vector<10240x128xf32>
    %get3A_9 = arith.constant 0 : index
    %get3A_10 = arith.constant 0 : index
    %get3A_11 = vector.load %arg1[%get3A_9, %get3A_10] : memref<10240x128xf32, #tpu.memory_space<vmem>>, vector<10240x128xf32>
    %add3A_12 = arith.addf %add3A, %get3A_11 : vector<10240x128xf32>
    %get3A_13 = arith.constant 0 : index
    %get3A_14 = vector.load %arg2[%get3A_13] : memref<10240xf32, #tpu.memory_space<vmem>>, vector<10240xf32>
    %broadcast_in_dim3A = vector.shape_cast %get3A_14 : vector<10240xf32> to vector<10240x1xf32>
    %mul3A = vector.broadcast %broadcast_in_dim3A : vector<10240x1xf32> to vector<10240x128xf32>
    %mul3A_15 = arith.mulf %add3A_12, %mul3A : vector<10240x128xf32>
    %get3A_16 = arith.constant 0 : index
    %get3A_17 = vector.load %arg3[%get3A_16] : memref<128xf32, #tpu.memory_space<vmem>>, vector<128xf32>
    %broadcast_in_dim3A_18 = vector.shape_cast %get3A_17 : vector<128xf32> to vector<1x128xf32>
    %add3A_19 = vector.broadcast %broadcast_in_dim3A_18 : vector<1x128xf32> to vector<10240x128xf32>
    %add3A_20 = arith.addf %mul3A_15, %add3A_19 : vector<10240x128xf32>
    %get3A_21 = arith.constant 0 : index
    %get3A_22 = memref.load %arg4[%get3A_21] : memref<1xf32, #tpu.memory_space<smem>>
    %gt3A = arith.constant 0.000000e+00 : f32
    %gt3A_23 = vector.broadcast %gt3A : f32 to vector<10240x128xf32>
    %gt3A_24 = arith.cmpf ogt, %add3A_20, %gt3A_23 : vector<10240x128xf32>
    %mul3A_25 = vector.broadcast %get3A_22 : f32 to vector<10240x128xf32>
    %mul3A_26 = arith.mulf %mul3A_25, %add3A_20 : vector<10240x128xf32>
    %select_n3A = arith.select %gt3A_24, %add3A_20, %mul3A_26 : vector<10240x128xi1>, vector<10240x128xf32>
    %swap3A = arith.constant 0 : index
    %swap3A_27 = arith.constant 0 : index
    %swap3A_28 = vector.load %arg5[%swap3A, %swap3A_27] : memref<10240x128xf32, #tpu.memory_space<vmem>>, vector<10240x128xf32>
    tpu.vector_store %arg5[%swap3A, %swap3A_27], %select_n3A {strides = array<i32>} : memref<10240x128xf32, #tpu.memory_space<vmem>>, vector<10240x128xf32>,
    return
  }
}

</mosaic_0001>

<sc_bundles>
// kernel: kernel.6.cloned.1.call-start
scs
__scs_entry_jumppad:
0x0: {  	(pc) =	sbr.rel $0x88, $3  }
0x1: {  	(tag) =	ssettag $0x0;
	lr =	simm.s32 $0x1  }
0x2: {  	[smem:$0x3F9C] =	sst lr;
	_ =	strace $0xD0000000  }
0x3: {  	_ = 	snop  }
0x4: {  	_ = 	snop  }
0x5: {  	_ = 	snop  }
0x6: {  	_ = 	snop  }
0x7: {  	_ = 	snop  }
__scs_overlays_trampoline_lowered:
0x8: {  	[smem:$0x3FAB] =	sst s0  }
0x9: {  	[smem:$0x3FAC] =	sst s1  }
0xa: {  	[smem:$0x3FAD] =	sst s2  }
0xb: {  	[smem:$0x3FAE] =	sst s3  }
0xc: {  	[smem:$0x3FAF] =	sst s4  }
0xd: {  	[smem:$0x3FB0] =	sst s5  }
0xe: {  	[smem:$0x3FB1] =	sst s6  }
0xf: {  	[smem:$0x3FB2] =	sst s7  }
0x10: {  	[smem:$0x3FB3] =	sst s8  }
0x11: {  	[smem:$0x3FB4] =	sst s9;
	s0 =	simm.s32 @!p0 $0x0  }
0x12: {  	s1 =	sld [smem:$0x3F9A];
	s0 =	simm.s32 @p0 $0x1  }
0x13: {  	[smem:$0x3FB5] =	sst s0;
	s0 =	simm.s32 @!p1 $0x0  }
0x14: {  	s2 =	sld [smem:$0x3F99];
	s0 =	simm.s32 @p1 $0x1  }
0x15: {  	[smem:$0x3FB6] =	sst s0;
	s0 =	simm.s32 @!p2 $0x0  }
0x16: {  	s3 =	sld [smem:$0x3FDB];
	s0 =	simm.s32 @p2 $0x1  }
0x17: {  	s4 =	simm.s32 $0x1BF5;
	[smem:$0x3FB8] =	sst s0  }
0x18: {  	s0 =	sld [smem:$0x3F9B];
	_ =	swait.ge [sflag:s4], $0x0  }
0x19: {  	s7 =	sld [smem:$0x3F9C]  }
0x1a: {  	s8 =	sadd.s32 $0xFFFFE003, lr  }
0x1b: {  	s9 =	sadd.s32 $0xFFFFFEF7, lr;
	s5 =	simm.s32 $0xFFFFFFFF;
	p2 =	slt.u32 s8, $0xFFFFF086  }
0x1c: {  	p1 =	slt.u32 s9, $0xF7A;
	s5 =	simm.s32 @!p2 $0x0  }
0x1d: {  	s5 =	simm.s32 @p1 $0x1;
	p0 =	seq.s32 s7, s2  }
0x1e: {  	s7 =	smul.u32 @!p0 $0xF7A, s2;
	p2 =	seq.s32 @!p0 s5, $0x0  }
0x1f: {  	s9 =	smul.u32 $0xF7A, s1;
	s8 =	simm.s32 @!p0 $0x1BF5;
	p2 =	por !p2, p0  }
0x20: {  	[sflag:s8] =	ssyncset.s32 @!p0 $0xFFFFF086;
	s6 =	sadd.s32 @!p0 s3, s7;
	s7 =	simm.s32 @!p0 $0x108  }
0x21: {  	s3 =	sadd.s32 s3, s9;
	s6 =	sadd.s32 @!p0 $0x88, s6;
	s7 =	simm.s32 @p2 $0x1082  }
0x22: {  	[simem:s7], [sflag:s8] =	dma.local @!p0 [hbm:s6], $0xF7A  }
0x23: {  	s9 =	sor.u32 $0xD0000000, s2;
	s6 =	simm.s32 $0x108;
	_ =	swait.ge @!p0 [sflag:s8], $0x0  }
0x24: {  	s3 =	sadd.s32 $0x88, s3;
	s6 =	simm.s32 @!p1 $0x1082;
	[sflag:s4] =	ssyncset.s32 $0xFFFFF086  }
0x25: {  	[simem:s6], [sflag:s4] =	dma.local [hbm:s3], $0xF7A  }
0x26: {  	[smem:$0x3F9C] =	sst s1;
	(tag) =	ssettag s2;
	_ =	strace s9  }
0x27: {  	s1 =	sld [smem:$0x3FAC]  }
0x28: {  	s2 =	sld [smem:$0x3FAD]  }
0x29: {  	s4 =	sld [smem:$0x3FAF]  }
0x2a: {  	p0 =	seq.s32 s5, $0x0;
	s5 =	sld [smem:$0x3FB0]  }
0x2b: {  	s6 =	sld [smem:$0x3FB1]  }
0x2c: {  	s7 =	sld [smem:$0x3FB2]  }
0x2d: {  	s3 =	simm.s32 $0x108;
	s8 =	sld [smem:$0x3FB3]  }
0x2e: {  	s3 =	simm.s32 @!p0 $0x1082;
	s9 =	sld [smem:$0x3FB4]  }
0x2f: {  	lr =	sadd.s32 s0, s3;
	s0 =	sld [smem:$0x3FAB]  }
0x30: {  	s3 =	sld [smem:$0x3FAE]  }
0x31: {  	[smem:$0x3FB7] =	sst s10  }
0x32: {  	s10 =	sld [smem:$0x3FB5];
	_ =	sdelay $0x3  }
0x33: {  	p0 =	seq.s32 s10, $0x1;
	s10 =	sld [smem:$0x3FB7];
	_ =	sdelay $0x3  }
0x34: {  	[smem:$0x3FB7] =	sst s10  }
0x35: {  	s10 =	sld [smem:$0x3FB6];
	_ =	sdelay $0x3  }
0x36: {  	p1 =	seq.s32 s10, $0x1;
	s10 =	sld [smem:$0x3FB7];
	_ =	sdelay $0x3  }
0x37: {  	[smem:$0x3FB7] =	sst s10  }
0x38: {  	s10 =	sld [smem:$0x3FB8]  }
0x39: {  	_ = 	snop;
	(pc) =	sbr.ind lr, $3  }
0x3a: {  	_ = 	snop  }
0x3b: {  	_ = 	snop  }
0x3c: {  	p2 =	seq.s32 s10, $0x1;
	s10 =	sld [smem:$0x3FB7]  }
0x3d: {  	_ =	shalt  }
0x3e: {  	_ =	shalt  }
0x3f: {  	_ =	shalt  }
0x40: {  	_ =	shalt  }
0x41: {  	_ =	shalt  }
0x42: {  	_ =	shalt  }
0x43: {  	_ =	shalt  }
0x44: {  	_ =	shalt  }
0x45: {  	_ =	shalt  }
0x46: {  	_ =	shalt  }
0x47: {  	_ =	shalt  }
0x48: {  	_ =	shalt  }
0x49: {  	_ =	shalt  }
0x4a: {  	_ =	shalt  }
0x4b: {  	_ =	shalt  }
0x4c: {  	_ =	shalt  }
0x4d: {  	_ =	shalt  }
0x4e: {  	_ =	shalt  }
0x4f: {  	_ =	shalt  }
0x50: {  	_ =	shalt  }
0x51: {  	_ =	shalt  }
0x52: {  	_ =	shalt  }
0x53: {  	_ =	shalt  }
0x54: {  	_ =	shalt  }
0x55: {  	_ =	shalt  }
0x56: {  	_ =	shalt  }
0x57: {  	_ =	shalt  }
0x58: {  	_ =	shalt  }
0x59: {  	_ =	shalt  }
0x5a: {  	_ =	shalt  }
0x5b: {  	_ =	shalt  }
0x5c: {  	_ =	shalt  }
0x5d: {  	_ =	shalt  }
0x5e: {  	_ =	shalt  }
0x5f: {  	_ =	shalt  }
0x60: {  	_ =	shalt  }
0x61: {  	_ =	shalt  }
0x62: {  	_ =	shalt  }
0x63: {  	_ =	shalt  }
0x64: {  	_ =	shalt  }
0x65: {  	_ =	shalt  }
0x66: {  	_ =	shalt  }
0x67: {  	_ =	shalt  }
0x68: {  	_ =	shalt  }
0x69: {  	_ =	shalt  }
0x6a: {  	_ =	shalt  }
0x6b: {  	_ =	shalt  }
0x6c: {  	_ =	shalt  }
0x6d: {  	_ =	shalt  }
0x6e: {  	_ =	shalt  }
0x6f: {  	_ =	shalt  }
0x70: {  	_ =	shalt  }
0x71: {  	_ =	shalt  }
0x72: {  	_ =	shalt  }
0x73: {  	_ =	shalt  }
0x74: {  	_ =	shalt  }
0x75: {  	_ =	shalt  }
0x76: {  	_ =	shalt  }
0x77: {  	_ =	shalt  }
0x78: {  	_ =	shalt  }
0x79: {  	_ =	shalt  }
0x7a: {  	_ =	shalt  }
0x7b: {  	_ =	shalt  }
0x7c: {  	_ =	shalt  }
0x7d: {  	_ =	shalt  }
0x7e: {  	_ =	shalt  }
0x7f: {  	_ =	shalt  }
0x80: {  	_ =	shalt  }
0x81: {  	_ =	shalt  }
0x82: {  	_ =	shalt  }
0x83: {  	_ =	shalt  }
0x84: {  	_ =	shalt  }
0x85: {  	_ =	shalt  }
0x86: {  	_ =	shalt  }
0x87: {  	_ =	shalt  }
.Lfunc_end0:
.L_simem_size_0:
called_computation_lowered:
.L_overlay_start_0:
0x88: {  	s2 =	sld [smem:$0x3FD9]  }
0x89: {  	s3 =	sld [smem:$0x3FFE];
	_ =	sdelay $0x1  }
0x8a: {  	s1 =	srdreg.scid  }
0x8b: {  	s0 =	sand.u32 $0x1, s1  }
0x8c: {  	s16 =	sshll.u32 s0, $0xA;
	s2 =	sadd.s32 s3, s2  }
0x8d: {  	s2 =	sadd.s32 s2, s16  }
0x8e: {  	[smem:$0x3FC3] =	sst s2  }
0x8f: {  	_ = 	snop  }
0x90: {  	(tm) =	ssettm $0x1  }
0x91: {  	s17 =	sld [smem:$0x3FFB];
	_ =	sdelay $0x3  }
0x92: {  	_ =	strace s17  }
0x93: {  	s2 =	sld [smem:$0x3FFC];
	_ =	sdelay $0x3  }
0x94: {  	_ =	strace s2  }
0x95: {  	s2 =	sld [smem:$0x3FFD];
	_ =	sdelay $0x3  }
0x96: {  	_ =	strace s2  }
0x97: {  	_ =	strace $0x8FFFFFFF  }
0x98: {  	s18 =	sld [smem:$0x3FDB];
	_ =	sdelay $0x1  }
0x99: {  	s19 =	simm.s32 $_scs_section_size  }
0x9a: {  	s4 =	simm.s32 $_size__tile_overlayer_lowered;
	s5 =	simm.s32 $_tile_overlayer_lowered  }
0x9b: {  	s22 =	simm.s32 $0x1BFF;
	s21 =	sshll.u32 s5, $0x1;
	s2 =	sadd.s32 s19, s18  }
0x9c: {  	s6 =	simm.s32 $0x0;
	s20 =	sshll.u32 s4, $0x1;
	s4 =	sadd.s32 s21, s2  }
0x9d: {  	[timem:s6], [sflag:s22] =	dma.local [hbm:s4], s20  }
0x9e: {  	_ =	swait.ge [sflag:s22], s20  }
0x9f: {  	s3 =	ssub.s32 $0x0, s20;
	[sflag:s22] =	ssyncset.done $0x0  }
0xa0: {  	[sflag:s22] =	ssyncadd.s32 s3;
	_ =	sdelay $0x1  }
0xa1: {  	s23 =	simm.s32 $0x1B8B  }
0xa2: {  	_ =	swait.ge [sflag:s23], $0x1  }
0xa3: {  	[sflag:s23] =	ssyncset.done $0x0  }
0xa4: {  	s25 =	simm.s32 $0x1B8E;
	s24 =	sld [smem:$0x3FFE];
	[sflag:s23] =	ssyncadd.s32 $0xFFFFFFFF  }
0xa5: {  	s26 =	simm.s32 $execute0_lowered;
	[smem:$0x3FD2] =	sst s25  }
0xa6: {  	s4 =	sshll.u32 s26, $0x1;
	_ =	strace $0x80000046;
	[dreg:$0x1] =	wrdreg $0xFFFFFFFF  }
0xa7: {  	s28 =	simm.s32 $_size_execute0_lowered;
	s2 =	sadd.s32 s2, s4;
	[dreg:$0x0] =	wrdreg $0x0  }
0xa8: {  	s4 =	sshll.u32 s28, $0x1;
	[dreg:$0x2] =	wrdreg s2  }
0xa9: {  	[dreg:$0x3] =	wrdreg s4  }
0xaa: {  	[dreg:$0x4] =	wrdreg $0xC0  }
0xab: {  	_ =	task [dreg:s6], $0x5FFFF  }
0xac: {  	[dreg:$0x1] =	wrdreg $0xFFFFFFFF  }
0xad: {  	[dreg:$0x0] =	wrdreg $0x60  }
0xae: {  	[dreg:$0x2] =	wrdreg s24  }
0xaf: {  	[dreg:$0x3] =	wrdreg $0x28800  }
0xb0: {  	[dreg:$0x4] =	wrdreg $0x9  }
0xb1: {  	_ =	task.clear_ibuf [dreg:s6], $0x5FFFF;
	_ =	strace $0x90000046  }
0xb2: {  	s29 =	simm.s32 $0x9;
	_ =	strace $0x80000048  }
0xb3: {  	_ =	swait.ge [sflag:s29], $0x1  }
0xb4: {  	[sflag:s29] =	ssyncadd.s32 $0xFFFFFFFF  }
0xb5: {  	_ =	strace $0x90000048  }
0xb6: {  	_ =	sfence  }
0xb7: {  	s30 =	sld [smem:$0x0];
	_ =	sdelay $0x2  }
0xb8: {  	s31 =	sshll.u32 s1, $0xD;
	s1 =	sshrl.u32 s1, $0x2  }
0xb9: {  	s3 =	sand.u32 $0x4000, s31;
	s1 =	sadd.s32 s1, s30  }
0xba: {  	s0 =	sor.u32 s3, s0;
	s1 =	sshll.u32 s1, $0x11  }
0xbb: {  	s0 =	sor.u32 s1, s0  }
0xbc: {  	s0 =	sadd.s32 $0x8F2B, s0  }
0xbd: {  	[sflag:s0] =	ssyncadd.remote.s32 $0x1  }
0xbe: {  	_ =	sfence.sel $0xFFFF  }
0xbf: {  	[dreg:$0x0] =	wrdreg $0xFFFFFFFF;
	(pc) =	sbr.abs _section_cstart, $3  }
0xc0: {  	[dreg:$0x1] =	wrdreg $0xFFFFFFFF  }
0xc1: {  	_ =	task.clear_ibuf [dreg:s6], $0x2FFFF;
	_ =	strace $0x9FFFFFFF  }
0xc2: {  	(tm) =	ssettm $0x7FFFFFFF  }
0xc3: {  	_ =	shalt  }
tec
execute0_lowered:
.L_overlay_start_1:
0x0: {  	(tag) =	ssettag $0x1  }
0x1: {  	s6 =	rddreg [dreg:$0x0]  }
0x2: {  	s0 =	srdreg.scid;
	s2 =	rddreg [dreg:$0x1];
	s3 =	simm.s32 $0x0  }
0x3: {  	s13 =	simm.s32 $0x1;
	s5 =	sand.u32 $0x1, s0;
	s0 =	stileid.u32  }
0x4: {  	s14 =	simm.s32 $0x0;
	[smem:$0x7FF] =	sst s3;
	s7 =	smul.u32 $0x280, s0  }
0x5: {  	s1 =	sshll.u32 s5, $0x4;
	s8 =	smul.u32 $0x2800, s5;
	s5 =	ssub.s32 $0x2, s5  }
0x6: {  	s10 =	sshll.u32 s0, $0x6;
	s1 =	sor.u32 s0, s1;
	s31 =	sshrl.u32 s5, $0x1  }
0x7: {  	s4 =	smul.u32 $0x500, s1;
	s1 =	rddreg [dreg:$0x2];
	_ =	strace $0x80000047  }
0x8: {  	s8 =	sadd.s32 s7, s8;
	s11 =	ssub.s32 s5, s31;
	s12 =	sadd.s32 s7, s2  }
0x9: {  	s5 =	sor.u32 $0x1C02, s10;
	s10 =	simm.s32 $0x2;
	s8 =	sshrl.u32 s8, $0x3  }
0xa: {  	s9 =	sadd.s32 s4, s6;
	s4 =	sadd.s32 $0xBE00, s6;
	s8 =	sadd.s32 s8, s6  }
0xb: {  	s6 =	sadd.s32 $0x1E00, s9;
	s7 =	sadd.s32 $0xC000, s8;
	s8 =	smax.u32 s11, $0x1  }
0xc: {  	v0 =	vimm.f32 $1.000000000e+00;
	s9 =	sshrl.u32 s12, $0x3;
	s11 =	simm.s32 $0x80;
	s12 =	simm.s32 $0x2800  }
.LBB2_1:
0xd: {  	[spmem:s9], [sflag:s5] =	dma.local [hbm:s4], $0x50  }
0xe: {  	_ =	swait.ge [sflag:s10], $0x50  }
0xf: {  	[sflag:s10] =	ssyncset.done $0x0  }
0x10: {  	[sflag:s10] =	ssyncadd.s32 $0xFFFFFFB0  }
0x11: {  	[tilespmem:s3], [sflag:$0x2] =	stream.linear.gather [hbm4b:s6+s3], $0x2800, $0x38;
	[tilespmem:$0x2B00] =	vst v63  }
0x12: {  	_ =	swait.ge [sflag:s10], $0x2800  }
0x13: {  	[sflag:s10] =	ssyncset.done $0x0  }
0x14: {  	[sflag:s10] =	ssyncadd.s32 $0xFFFFD800  }
0x15: {  	[tilespmem:$0x2800] =	vst v0  }
0x16: {  	[tilespmem:$0x2810] =	vst v0  }
0x17: {  	[tilespmem:$0x2820] =	vst v0  }
0x18: {  	[tilespmem:$0x2830] =	vst v0  }
0x19: {  	[tilespmem:$0x2840] =	vst v0  }
0x1a: {  	[tilespmem:$0x2850] =	vst v0  }
0x1b: {  	[tilespmem:$0x2860] =	vst v0  }
0x1c: {  	[tilespmem:$0x2870] =	vst v0  }
0x1d: {  	s15 =	simm.s32 $0x0;
	[bflag:$0x0] =	sbarrier.arrive $0xFFFF  }
0x1e: {  	[spmem:s2] =	stream.indirect.scatter.add.f32 [tilespmem:s12], [sflag:$0x1], $0x1, s15, s11, $0xb8;
	[tilespmem:$0x2B00] =	vst v63  }
0x1f: {  	s24 =	simm.s32 $0x80  }
0x20: {  	[spmem:s2] =	stream.indirect.scatter.add.f32 [tilespmem:s12], [sflag:$0x1], $0x1, s24, s11, $0xb8;
	[tilespmem:$0x2B00] =	vst v63  }
0x21: {  	s25 =	simm.s32 $0x100  }
0x22: {  	[spmem:s2] =	stream.indirect.scatter.add.f32 [tilespmem:s12], [sflag:$0x1], $0x1, s25, s11, $0xb8;
	[tilespmem:$0x2B00] =	vst v63  }
0x23: {  	s26 =	simm.s32 $0x180  }
0x24: {  	[spmem:s2] =	stream.indirect.scatter.add.f32 [tilespmem:s12], [sflag:$0x1], $0x1, s26, s11, $0xb8;
	[tilespmem:$0x2B00] =	vst v63  }
0x25: {  	s28 =	simm.s32 $0x200  }
0x26: {  	[spmem:s2] =	stream.indirect.scatter.add.f32 [tilespmem:s12], [sflag:$0x1], $0x1, s28, s11, $0xb8;
	[tilespmem:$0x2B00] =	vst v63  }
0x27: {  	s29 =	simm.s32 $0x280  }
0x28: {  	[spmem:s2] =	stream.indirect.scatter.add.f32 [tilespmem:s12], [sflag:$0x1], $0x1, s29, s11, $0xb8;
	[tilespmem:$0x2B00] =	vst v63  }
0x29: {  	s30 =	simm.s32 $0x300  }
0x2a: {  	[spmem:s2] =	stream.indirect.scatter.add.f32 [tilespmem:s12], [sflag:$0x1], $0x1, s30, s11, $0xb8;
	[tilespmem:$0x2B00] =	vst v63  }
0x2b: {  	s31 =	simm.s32 $0x380  }
0x2c: {  	[spmem:s2] =	stream.indirect.scatter.add.f32 [tilespmem:s12], [sflag:$0x1], $0x1, s31, s11, $0xb8;
	[tilespmem:$0x2B00] =	vst v63  }
0x2d: {  	_ =	swait.ge [sflag:s13], $0x80  }
0x2e: {  	[sflag:s13] =	ssyncset.done $0x0  }
0x2f: {  	[sflag:s13] =	ssyncadd.s32 $0xFFFFFF80  }
0x30: {  	_ =	swait.ge [sflag:s13], $0x80  }
0x31: {  	[sflag:s13] =	ssyncset.done $0x0  }
0x32: {  	[sflag:s13] =	ssyncadd.s32 $0xFFFFFF80  }
0x33: {  	_ =	swait.ge [sflag:s13], $0x80  }
0x34: {  	[sflag:s13] =	ssyncset.done $0x0  }
0x35: {  	[sflag:s13] =	ssyncadd.s32 $0xFFFFFF80  }
0x36: {  	_ =	swait.ge [sflag:s13], $0x80  }
0x37: {  	[sflag:s13] =	ssyncset.done $0x0  }
0x38: {  	[sflag:s13] =	ssyncadd.s32 $0xFFFFFF80  }
0x39: {  	_ =	swait.ge [sflag:s13], $0x80  }
0x3a: {  	[sflag:s13] =	ssyncset.done $0x0  }
0x3b: {  	[sflag:s13] =	ssyncadd.s32 $0xFFFFFF80  }
0x3c: {  	_ =	swait.ge [sflag:s13], $0x80  }
0x3d: {  	[sflag:s13] =	ssyncset.done $0x0  }
0x3e: {  	[sflag:s13] =	ssyncadd.s32 $0xFFFFFF80  }
0x3f: {  	_ =	swait.ge [sflag:s13], $0x80  }
0x40: {  	[sflag:s13] =	ssyncset.done $0x0  }
0x41: {  	[sflag:s13] =	ssyncadd.s32 $0xFFFFFF80  }
0x42: {  	_ =	swait.ge [sflag:s13], $0x80  }
0x43: {  	s17 =	simm.s32 $0x2000;
	s15 =	simm.s32 $0x1000;
	[sflag:s13] =	ssyncset.done $0x0  }
.LBB2_2:
0x44: {  	s18 =	sshra.s32 s15, $0x2  }
0x45: {  	[sflag:s13] =	ssyncadd.s32 $0xFFFFFF80;
	s15 =	smov.u32 s17;
	s16 =	sadd.s32 $0x1000, s17  }
0x46: {  	[spmem:s2] =	stream.indirect.scatter.add.f32 [tilespmem:s12], [sflag:$0x1], $0x1, s18, s11, $0xb8;
	[tilespmem:$0x2B00] =	vst v63  }
0x47: {  	p0 =	sne.s32 s17, $0x9000;
	s17 =	sadd.s32 $0x80, s18  }
0x48: {  	[spmem:s2] =	stream.indirect.scatter.add.f32 [tilespmem:s12], [sflag:$0x1], $0x1, s17, s11, $0xb8;
	[tilespmem:$0x2B00] =	vst v63  }
0x49: {  	s17 =	sadd.s32 $0x100, s18  }
0x4a: {  	[spmem:s2] =	stream.indirect.scatter.add.f32 [tilespmem:s12], [sflag:$0x1], $0x1, s17, s11, $0xb8;
	[tilespmem:$0x2B00] =	vst v63  }
0x4b: {  	s17 =	sadd.s32 $0x180, s18  }
0x4c: {  	[spmem:s2] =	stream.indirect.scatter.add.f32 [tilespmem:s12], [sflag:$0x1], $0x1, s17, s11, $0xb8;
	[tilespmem:$0x2B00] =	vst v63  }
0x4d: {  	s17 =	sadd.s32 $0x200, s18  }
0x4e: {  	[spmem:s2] =	stream.indirect.scatter.add.f32 [tilespmem:s12], [sflag:$0x1], $0x1, s17, s11, $0xb8;
	[tilespmem:$0x2B00] =	vst v63  }
0x4f: {  	s17 =	sadd.s32 $0x280, s18  }
0x50: {  	[spmem:s2] =	stream.indirect.scatter.add.f32 [tilespmem:s12], [sflag:$0x1], $0x1, s17, s11, $0xb8;
	[tilespmem:$0x2B00] =	vst v63  }
0x51: {  	s17 =	sadd.s32 $0x300, s18  }
0x52: {  	[spmem:s2] =	stream.indirect.scatter.add.f32 [tilespmem:s12], [sflag:$0x1], $0x1, s17, s11, $0xb8;
	[tilespmem:$0x2B00] =	vst v63  }
0x53: {  	s17 =	sadd.s32 $0x380, s18  }
0x54: {  	[spmem:s2] =	stream.indirect.scatter.add.f32 [tilespmem:s12], [sflag:$0x1], $0x1, s17, s11, $0xb8;
	[tilespmem:$0x2B00] =	vst v63  }
0x55: {  	_ =	swait.ge [sflag:s13], $0x80  }
0x56: {  	[sflag:s13] =	ssyncset.done $0x0  }
0x57: {  	[sflag:s13] =	ssyncadd.s32 $0xFFFFFF80  }
0x58: {  	_ =	swait.ge [sflag:s13], $0x80  }
0x59: {  	[sflag:s13] =	ssyncset.done $0x0  }
0x5a: {  	[sflag:s13] =	ssyncadd.s32 $0xFFFFFF80  }
0x5b: {  	_ =	swait.ge [sflag:s13], $0x80  }
0x5c: {  	[sflag:s13] =	ssyncset.done $0x0  }
0x5d: {  	[sflag:s13] =	ssyncadd.s32 $0xFFFFFF80  }
0x5e: {  	_ =	swait.ge [sflag:s13], $0x80  }
0x5f: {  	[sflag:s13] =	ssyncset.done $0x0  }
0x60: {  	[sflag:s13] =	ssyncadd.s32 $0xFFFFFF80  }
0x61: {  	_ =	swait.ge [sflag:s13], $0x80  }
0x62: {  	[sflag:s13] =	ssyncset.done $0x0  }
0x63: {  	[sflag:s13] =	ssyncadd.s32 $0xFFFFFF80  }
0x64: {  	_ =	swait.ge [sflag:s13], $0x80  }
0x65: {  	[sflag:s13] =	ssyncset.done $0x0  }
0x66: {  	[sflag:s13] =	ssyncadd.s32 $0xFFFFFF80  }
.Ltmp0:
0x67: {  	_ =	swait.ge [sflag:s13], $0x80;
	(pc) =	sbr.rel @p0 .LBB2_2-.Ltmp0, $4  }
0x68: {  	[sflag:s13] =	ssyncset.done $0x0  }
0x69: {  	[sflag:s13] =	ssyncadd.s32 $0xFFFFFF80  }
0x6a: {  	_ =	swait.ge [sflag:s13], $0x80  }
0x6b: {  	s17 =	smov.u32 s16;
	[sflag:s13] =	ssyncset.done $0x0  }
0x6c: {  	s15 =	sshra.s32 s15, $0x2;
	[sflag:s13] =	ssyncadd.s32 $0xFFFFFF80  }
0x6d: {  	[spmem:s2] =	stream.indirect.scatter.add.f32 [tilespmem:s12], [sflag:$0x1], $0x1, s15, s11, $0xb8;
	[tilespmem:$0x2B00] =	vst v63  }
0x6e: {  	s16 =	sadd.s32 $0x80, s15  }
0x6f: {  	[spmem:s2] =	stream.indirect.scatter.add.f32 [tilespmem:s12], [sflag:$0x1], $0x1, s16, s11, $0xb8;
	[tilespmem:$0x2B00] =	vst v63  }
0x70: {  	s26 =	sadd.s32 $0x100, s15  }
0x71: {  	[spmem:s2] =	stream.indirect.scatter.add.f32 [tilespmem:s12], [sflag:$0x1], $0x1, s26, s11, $0xb8;
	[tilespmem:$0x2B00] =	vst v63  }
0x72: {  	s28 =	sadd.s32 $0x180, s15  }
0x73: {  	[spmem:s2] =	stream.indirect.scatter.add.f32 [tilespmem:s12], [sflag:$0x1], $0x1, s28, s11, $0xb8;
	[tilespmem:$0x2B00] =	vst v63  }
0x74: {  	s29 =	sadd.s32 $0x200, s15  }
0x75: {  	[spmem:s2] =	stream.indirect.scatter.add.f32 [tilespmem:s12], [sflag:$0x1], $0x1, s29, s11, $0xb8;
	[tilespmem:$0x2B00] =	vst v63  }
0x76: {  	s30 =	sadd.s32 $0x280, s15  }
0x77: {  	[spmem:s2] =	stream.indirect.scatter.add.f32 [tilespmem:s12], [sflag:$0x1], $0x1, s30, s11, $0xb8;
	[tilespmem:$0x2B00] =	vst v63  }
0x78: {  	s31 =	sadd.s32 $0x300, s15  }
0x79: {  	[spmem:s2] =	stream.indirect.scatter.add.f32 [tilespmem:s12], [sflag:$0x1], $0x1, s31, s11, $0xb8;
	[tilespmem:$0x2B00] =	vst v63  }
0x7a: {  	s15 =	sadd.s32 $0x380, s15  }
0x7b: {  	[spmem:s2] =	stream.indirect.scatter.add.f32 [tilespmem:s12], [sflag:$0x1], $0x1, s15, s11, $0xb8;
	[tilespmem:$0x2B00] =	vst v63  }
0x7c: {  	_ =	swait.ge [sflag:s13], $0x80  }
0x7d: {  	[sflag:s13] =	ssyncset.done $0x0  }
0x7e: {  	[sflag:s13] =	ssyncadd.s32 $0xFFFFFF80  }
0x7f: {  	_ =	swait.ge [sflag:s13], $0x80  }
0x80: {  	[sflag:s13] =	ssyncset.done $0x0  }
0x81: {  	[sflag:s13] =	ssyncadd.s32 $0xFFFFFF80  }
0x82: {  	_ =	swait.ge [sflag:s13], $0x80  }
0x83: {  	[sflag:s13] =	ssyncset.done $0x0  }
0x84: {  	[sflag:s13] =	ssyncadd.s32 $0xFFFFFF80  }
0x85: {  	_ =	swait.ge [sflag:s13], $0x80  }
0x86: {  	[sflag:s13] =	ssyncset.done $0x0  }
0x87: {  	[sflag:s13] =	ssyncadd.s32 $0xFFFFFF80  }
0x88: {  	_ =	swait.ge [sflag:s13], $0x80  }
0x89: {  	[sflag:s13] =	ssyncset.done $0x0  }
0x8a: {  	[sflag:s13] =	ssyncadd.s32 $0xFFFFFF80  }
0x8b: {  	_ =	swait.ge [sflag:s13], $0x80  }
0x8c: {  	[sflag:s13] =	ssyncset.done $0x0  }
0x8d: {  	[sflag:s13] =	ssyncadd.s32 $0xFFFFFF80  }
0x8e: {  	_ =	swait.ge [sflag:s13], $0x80  }
0x8f: {  	[sflag:s13] =	ssyncset.done $0x0  }
0x90: {  	[sflag:s13] =	ssyncadd.s32 $0xFFFFFF80  }
0x91: {  	_ =	swait.ge [sflag:s13], $0x80  }
0x92: {  	s14 =	sadd.s32 $0x1, s14;
	[sflag:s13] =	ssyncset.done $0x0  }
0x93: {  	p0 =	sne.s32 s14, s8;
	[sflag:s13] =	ssyncadd.s32 $0xFFFFFF80  }
.Ltmp1:
0x94: {  	[bflag:$0x0] =	sbarrier.arrive $0xFFFF;
	(pc) =	sbr.rel @p0 .LBB2_1-.Ltmp1, $4  }
0x95: {  	[hbm:s7], [sflag:s5] =	dma.local [spmem:s9], $0x50  }
0x96: {  	_ =	swait.ge [sflag:s10], $0x50  }
0x97: {  	[sflag:s10] =	ssyncset.done $0x0  }
0x98: {  	[sflag:s10] =	ssyncadd.s32 $0xFFFFFFB0  }
0x99: {  	_ =	sfence.sel $0x180000  }
0x9a: {  	[bflag:$0x0] =	sbarrier.arrive $0xFFFF  }
0x9b: {  	p0 =	sne.s32 s0, $0x0;
	_ =	strace $0x90000047  }
0x9c: {  	s0 =	sadd.s32 @!p0 $0x100000, s1;
	[bflag:$0x2] =	sbarrier.arrive $0xFFFF  }
0x9d: {  	[sflag:s0] =	ssyncadd.tile.s32 @!p0 $0x1;
	_ =	shalt  }
.Lfunc_end2:
_tile_overlayer_lowered:
.L_overlay_start_2:
0x9e: {  	(tag) =	ssettag $0x2  }
0x9f: {  	s0 =	rddreg [dreg:$0x0];
	s2 =	stileid.u32  }
0xa0: {  	s1 =	rddreg [dreg:$0x1];
	p0 =	sne.s32 s2, $0x0  }
0xa1: {  	s3 =	rddreg [dreg:$0x2];
	[bflag:$0x3] =	sbarrier.arrive $0xFFFF;
	s2 =	simm.s32 @!p0 $0x1C02  }
0xa2: {  	[timem:s3], [sflag:s2] =	dma.local @!p0 [hbm:s0], s1  }
0xa3: {  	s0 =	simm.s32 @!p0 $0x2  }
0xa4: {  	_ =	swait.ge @!p0 [sflag:s0], s1  }
0xa5: {  	s1 =	ssub.s32 @!p0 $0x0, s1;
	[sflag:s0] =	ssyncset.done @!p0 $0x0  }
0xa6: {  	[sflag:s0] =	ssyncadd.s32 @!p0 s1  }
0xa7: {  	[bflag:$0x3] =	sbarrier.arrive $0xFFFF  }
0xa8: {  	_ =	shalt  }

// kernel: kernel.9.cloned.1.call-start
scs
__scs_entry_jumppad:
0x0: {  	(pc) =	sbr.rel $0x88, $3  }
0x1: {  	(tag) =	ssettag $0x0;
	lr =	simm.s32 $0x1  }
0x2: {  	[smem:$0x3F9C] =	sst lr;
	_ =	strace $0xD0000000  }
0x3: {  	_ = 	snop  }
0x4: {  	_ = 	snop  }
0x5: {  	_ = 	snop  }
0x6: {  	_ = 	snop  }
0x7: {  	_ = 	snop  }
__scs_overlays_trampoline_lowered:
0x8: {  	[smem:$0x3FAB] =	sst s0  }
0x9: {  	[smem:$0x3FAC] =	sst s1  }
0xa: {  	[smem:$0x3FAD] =	sst s2  }
0xb: {  	[smem:$0x3FAE] =	sst s3  }
0xc: {  	[smem:$0x3FAF] =	sst s4  }
0xd: {  	[smem:$0x3FB0] =	sst s5  }
0xe: {  	[smem:$0x3FB1] =	sst s6  }
0xf: {  	[smem:$0x3FB2] =	sst s7  }
0x10: {  	[smem:$0x3FB3] =	sst s8  }
0x11: {  	[smem:$0x3FB4] =	sst s9;
	s0 =	simm.s32 @!p0 $0x0  }
0x12: {  	s1 =	sld [smem:$0x3F9A];
	s0 =	simm.s32 @p0 $0x1  }
0x13: {  	[smem:$0x3FB5] =	sst s0;
	s0 =	simm.s32 @!p1 $0x0  }
0x14: {  	s2 =	sld [smem:$0x3F99];
	s0 =	simm.s32 @p1 $0x1  }
0x15: {  	[smem:$0x3FB6] =	sst s0;
	s0 =	simm.s32 @!p2 $0x0  }
0x16: {  	s3 =	sld [smem:$0x3FDB];
	s0 =	simm.s32 @p2 $0x1  }
0x17: {  	s4 =	simm.s32 $0x1BF5;
	[smem:$0x3FB8] =	sst s0  }
0x18: {  	s0 =	sld [smem:$0x3F9B];
	_ =	swait.ge [sflag:s4], $0x0  }
0x19: {  	s7 =	sld [smem:$0x3F9C]  }
0x1a: {  	s8 =	sadd.s32 $0xFFFFE003, lr  }
0x1b: {  	s9 =	sadd.s32 $0xFFFFFEF7, lr;
	s5 =	simm.s32 $0xFFFFFFFF;
	p2 =	slt.u32 s8, $0xFFFFF086  }
0x1c: {  	p1 =	slt.u32 s9, $0xF7A;
	s5 =	simm.s32 @!p2 $0x0  }
0x1d: {  	s5 =	simm.s32 @p1 $0x1;
	p0 =	seq.s32 s7, s2  }
0x1e: {  	s7 =	smul.u32 @!p0 $0xF7A, s2;
	p2 =	seq.s32 @!p0 s5, $0x0  }
0x1f: {  	s9 =	smul.u32 $0xF7A, s1;
	s8 =	simm.s32 @!p0 $0x1BF5;
	p2 =	por !p2, p0  }
0x20: {  	[sflag:s8] =	ssyncset.s32 @!p0 $0xFFFFF086;
	s6 =	sadd.s32 @!p0 s3, s7;
	s7 =	simm.s32 @!p0 $0x108  }
0x21: {  	s3 =	sadd.s32 s3, s9;
	s6 =	sadd.s32 @!p0 $0x88, s6;
	s7 =	simm.s32 @p2 $0x1082  }
0x22: {  	[simem:s7], [sflag:s8] =	dma.local @!p0 [hbm:s6], $0xF7A  }
0x23: {  	s9 =	sor.u32 $0xD0000000, s2;
	s6 =	simm.s32 $0x108;
	_ =	swait.ge @!p0 [sflag:s8], $0x0  }
0x24: {  	s3 =	sadd.s32 $0x88, s3;
	s6 =	simm.s32 @!p1 $0x1082;
	[sflag:s4] =	ssyncset.s32 $0xFFFFF086  }
0x25: {  	[simem:s6], [sflag:s4] =	dma.local [hbm:s3], $0xF7A  }
0x26: {  	[smem:$0x3F9C] =	sst s1;
	(tag) =	ssettag s2;
	_ =	strace s9  }
0x27: {  	s1 =	sld [smem:$0x3FAC]  }
0x28: {  	s2 =	sld [smem:$0x3FAD]  }
0x29: {  	s4 =	sld [smem:$0x3FAF]  }
0x2a: {  	p0 =	seq.s32 s5, $0x0;
	s5 =	sld [smem:$0x3FB0]  }
0x2b: {  	s6 =	sld [smem:$0x3FB1]  }
0x2c: {  	s7 =	sld [smem:$0x3FB2]  }
0x2d: {  	s3 =	simm.s32 $0x108;
	s8 =	sld [smem:$0x3FB3]  }
0x2e: {  	s3 =	simm.s32 @!p0 $0x1082;
	s9 =	sld [smem:$0x3FB4]  }
0x2f: {  	lr =	sadd.s32 s0, s3;
	s0 =	sld [smem:$0x3FAB]  }
0x30: {  	s3 =	sld [smem:$0x3FAE]  }
0x31: {  	[smem:$0x3FB7] =	sst s10  }
0x32: {  	s10 =	sld [smem:$0x3FB5];
	_ =	sdelay $0x3  }
0x33: {  	p0 =	seq.s32 s10, $0x1;
	s10 =	sld [smem:$0x3FB7];
	_ =	sdelay $0x3  }
0x34: {  	[smem:$0x3FB7] =	sst s10  }
0x35: {  	s10 =	sld [smem:$0x3FB6];
	_ =	sdelay $0x3  }
0x36: {  	p1 =	seq.s32 s10, $0x1;
	s10 =	sld [smem:$0x3FB7];
	_ =	sdelay $0x3  }
0x37: {  	[smem:$0x3FB7] =	sst s10  }
0x38: {  	s10 =	sld [smem:$0x3FB8]  }
0x39: {  	_ = 	snop;
	(pc) =	sbr.ind lr, $3  }
0x3a: {  	_ = 	snop  }
0x3b: {  	_ = 	snop  }
0x3c: {  	p2 =	seq.s32 s10, $0x1;
	s10 =	sld [smem:$0x3FB7]  }
0x3d: {  	_ =	shalt  }
0x3e: {  	_ =	shalt  }
0x3f: {  	_ =	shalt  }
0x40: {  	_ =	shalt  }
0x41: {  	_ =	shalt  }
0x42: {  	_ =	shalt  }
0x43: {  	_ =	shalt  }
0x44: {  	_ =	shalt  }
0x45: {  	_ =	shalt  }
0x46: {  	_ =	shalt  }
0x47: {  	_ =	shalt  }
0x48: {  	_ =	shalt  }
0x49: {  	_ =	shalt  }
0x4a: {  	_ =	shalt  }
0x4b: {  	_ =	shalt  }
0x4c: {  	_ =	shalt  }
0x4d: {  	_ =	shalt  }
0x4e: {  	_ =	shalt  }
0x4f: {  	_ =	shalt  }
0x50: {  	_ =	shalt  }
0x51: {  	_ =	shalt  }
0x52: {  	_ =	shalt  }
0x53: {  	_ =	shalt  }
0x54: {  	_ =	shalt  }
0x55: {  	_ =	shalt  }
0x56: {  	_ =	shalt  }
0x57: {  	_ =	shalt  }
0x58: {  	_ =	shalt  }
0x59: {  	_ =	shalt  }
0x5a: {  	_ =	shalt  }
0x5b: {  	_ =	shalt  }
0x5c: {  	_ =	shalt  }
0x5d: {  	_ =	shalt  }
0x5e: {  	_ =	shalt  }
0x5f: {  	_ =	shalt  }
0x60: {  	_ =	shalt  }
0x61: {  	_ =	shalt  }
0x62: {  	_ =	shalt  }
0x63: {  	_ =	shalt  }
0x64: {  	_ =	shalt  }
0x65: {  	_ =	shalt  }
0x66: {  	_ =	shalt  }
0x67: {  	_ =	shalt  }
0x68: {  	_ =	shalt  }
0x69: {  	_ =	shalt  }
0x6a: {  	_ =	shalt  }
0x6b: {  	_ =	shalt  }
0x6c: {  	_ =	shalt  }
0x6d: {  	_ =	shalt  }
0x6e: {  	_ =	shalt  }
0x6f: {  	_ =	shalt  }
0x70: {  	_ =	shalt  }
0x71: {  	_ =	shalt  }
0x72: {  	_ =	shalt  }
0x73: {  	_ =	shalt  }
0x74: {  	_ =	shalt  }
0x75: {  	_ =	shalt  }
0x76: {  	_ =	shalt  }
0x77: {  	_ =	shalt  }
0x78: {  	_ =	shalt  }
0x79: {  	_ =	shalt  }
0x7a: {  	_ =	shalt  }
0x7b: {  	_ =	shalt  }
0x7c: {  	_ =	shalt  }
0x7d: {  	_ =	shalt  }
0x7e: {  	_ =	shalt  }
0x7f: {  	_ =	shalt  }
0x80: {  	_ =	shalt  }
0x81: {  	_ =	shalt  }
0x82: {  	_ =	shalt  }
0x83: {  	_ =	shalt  }
0x84: {  	_ =	shalt  }
0x85: {  	_ =	shalt  }
0x86: {  	_ =	shalt  }
0x87: {  	_ =	shalt  }
.Lfunc_end0:
.L_simem_size_0:
called_computation.1_lowered:
.L_overlay_start_0:
0x88: {  	s2 =	sld [smem:$0x3FD9]  }
0x89: {  	s3 =	sld [smem:$0x3FFE];
	_ =	sdelay $0x1  }
0x8a: {  	s1 =	srdreg.scid  }
0x8b: {  	s0 =	sand.u32 $0x1, s1  }
0x8c: {  	s17 =	sshll.u32 s0, $0xA;
	s2 =	sadd.s32 s3, s2  }
0x8d: {  	s2 =	sadd.s32 s2, s17  }
0x8e: {  	[smem:$0x3FC3] =	sst s2  }
0x8f: {  	_ = 	snop  }
0x90: {  	s2 =	sld [smem:$0x3FD0];
	(tm) =	ssettm $0x1  }
0x91: {  	s18 =	sld [smem:$0x3FFB];
	_ =	sdelay $0x3  }
0x92: {  	_ =	strace s18  }
0x93: {  	s3 =	sld [smem:$0x3FFC];
	_ =	sdelay $0x3  }
0x94: {  	_ =	strace s3  }
0x95: {  	s3 =	sld [smem:$0x3FFD];
	_ =	sdelay $0x3  }
0x96: {  	_ =	strace s3  }
0x97: {  	_ =	strace $0x8FFFFFFF  }
0x98: {  	s19 =	sld [smem:$0x3FDB];
	_ =	sdelay $0x1  }
0x99: {  	s4 =	simm.s32 $_scs_section_size  }
0x9a: {  	s5 =	simm.s32 $_size__tile_overlayer_lowered;
	s6 =	simm.s32 $_tile_overlayer_lowered  }
0x9b: {  	s22 =	simm.s32 $0x1BFF;
	s21 =	sshll.u32 s6, $0x1;
	s3 =	sadd.s32 s4, s19  }
0x9c: {  	s7 =	simm.s32 $0x0;
	s20 =	sshll.u32 s5, $0x1;
	s5 =	sadd.s32 s21, s3  }
0x9d: {  	[timem:s7], [sflag:s22] =	dma.local [hbm:s5], s20  }
0x9e: {  	_ =	swait.ge [sflag:s22], s20  }
0x9f: {  	s4 =	ssub.s32 $0x0, s20;
	[sflag:s22] =	ssyncset.done $0x0  }
0xa0: {  	[sflag:s22] =	ssyncadd.s32 s4;
	_ =	sdelay $0x1  }
0xa1: {  	s23 =	simm.s32 $0x1B8B  }
0xa2: {  	_ =	swait.ge [sflag:s23], $0x1  }
0xa3: {  	[sflag:s23] =	ssyncset.done $0x0  }
0xa4: {  	s25 =	simm.s32 $0x1B8E;
	s24 =	sld [smem:$0x3FFE];
	[sflag:s23] =	ssyncadd.s32 $0xFFFFFFFF  }
0xa5: {  	s26 =	simm.s32 $execute0_lowered;
	[smem:$0x3FD2] =	sst s25  }
0xa6: {  	s5 =	sshll.u32 s26, $0x1;
	_ =	strace $0x80000049;
	[dreg:$0x1] =	wrdreg $0xFFFFFFFF  }
0xa7: {  	s28 =	simm.s32 $_size_execute0_lowered;
	s3 =	sadd.s32 s3, s5;
	[dreg:$0x0] =	wrdreg $0x0  }
0xa8: {  	s5 =	sshll.u32 s28, $0x1;
	[dreg:$0x2] =	wrdreg s3  }
0xa9: {  	[dreg:$0x3] =	wrdreg s5  }
0xaa: {  	[dreg:$0x4] =	wrdreg $0xC0  }
0xab: {  	_ =	task [dreg:s7], $0x5FFFF  }
0xac: {  	[dreg:$0x1] =	wrdreg $0xFFFFFFFF  }
0xad: {  	[dreg:$0x0] =	wrdreg $0x60  }
0xae: {  	[dreg:$0x2] =	wrdreg s2  }
0xaf: {  	[dreg:$0x3] =	wrdreg s24  }
0xb0: {  	[dreg:$0x4] =	wrdreg $0xAB000  }
0xb1: {  	[dreg:$0x5] =	wrdreg $0x9  }
0xb2: {  	_ =	task.clear_ibuf [dreg:s7], $0x6FFFF;
	_ =	strace $0x90000049  }
0xb3: {  	s29 =	simm.s32 $0x9;
	_ =	strace $0x8000004B  }
0xb4: {  	_ =	swait.ge [sflag:s29], $0x1  }
0xb5: {  	[sflag:s29] =	ssyncadd.s32 $0xFFFFFFFF  }
0xb6: {  	_ =	strace $0x9000004B  }
0xb7: {  	_ =	sfence  }
0xb8: {  	s30 =	sld [smem:$0x0];
	_ =	sdelay $0x2  }
0xb9: {  	s31 =	sshll.u32 s1, $0xD;
	s1 =	sshrl.u32 s1, $0x2  }
0xba: {  	s3 =	sand.u32 $0x4000, s31;
	s1 =	sadd.s32 s1, s30  }
0xbb: {  	s0 =	sor.u32 s3, s0;
	s1 =	sshll.u32 s1, $0x11  }
0xbc: {  	s0 =	sor.u32 s1, s0  }
0xbd: {  	s0 =	sadd.s32 $0x8F2B, s0  }
0xbe: {  	[sflag:s0] =	ssyncadd.remote.s32 $0x1  }
0xbf: {  	_ =	sfence.sel $0xFFFF  }
0xc0: {  	[dreg:$0x0] =	wrdreg $0xFFFFFFFF;
	(pc) =	sbr.abs _section_cstart, $3  }
0xc1: {  	[dreg:$0x1] =	wrdreg $0xFFFFFFFF  }
0xc2: {  	_ =	task.clear_ibuf [dreg:s7], $0x2FFFF;
	_ =	strace $0x9FFFFFFF  }
0xc3: {  	(tm) =	ssettm $0x7FFFFFFF  }
tec
execute0_lowered:
.L_overlay_start_1:
0x0: {  	(tag) =	ssettag $0x1  }
0x1: {  	s0 =	rddreg [dreg:$0x0]  }
0x2: {  	s1 =	rddreg [dreg:$0x1];
	s2 =	srdreg.scid  }
0x3: {  	s3 =	rddreg [dreg:$0x2];
	s10 =	stileid.u32  }
0x4: {  	s4 =	simm.s32 $0x0;
	s28 =	simm.s32 $0x4;
	s29 =	simm.s32 $0x2  }
0x5: {  	s30 =	simm.s32 $0x180;
	s31 =	simm.s32 $0x5;
	s7 =	smul.u32 $0x14000, s10  }
0x6: {  	s2 =	sand.u32 $0x1, s2;
	[smem:$0x7FF] =	sst s4;
	s9 =	smul.u32 $0x50000, s10  }
0x7: {  	s5 =	sadd.s32 $0x1E00, s1;
	s17 =	sadd.s32 $0x29E00, s1;
	s11 =	smul.u32 $0x5A00, s10  }
0x8: {  	s21 =	sshll.u32 s10, $0x6;
	s6 =	smul.u32 $0x140000, s2;
	_ =	strace $0x8000004A  }
0x9: {  	[dreg:$0x4] =	wrdreg s17;
	s18 =	sshll.u32 s2, $0x4;
	s8 =	ssub.s32 $0x2, s2  }
0xa: {  	s2 =	smul.u32 $0x5A000, s2;
	s17 =	simm.s32 $0x7;
	s19 =	sshrl.u32 s8, $0x1  }
0xb: {  	s20 =	sshrl.u32 s9, $0x2;
	s9 =	sor.u32 $0x1C07, s21;
	s21 =	simm.s32 $0x300  }
0xc: {  	s6 =	sadd.s32 s7, s6;
	s7 =	sor.u32 s10, s18;
	s12 =	sadd.s32 s20, s3  }
0xd: {  	s2 =	sadd.s32 s11, s2;
	s18 =	simm.s32 $0x100;
	s20 =	simm.s32 $0x70  }
0xe: {  	s6 =	sshrl.u32 s6, $0x3;
	s7 =	smul.u32 $0x5A00, s7;
	s23 =	sadd.s32 $0x500, s2  }
0xf: {  	s24 =	sadd.s32 $0x400, s2;
	s26 =	sadd.s32 $0x300, s2;
	s15 =	sshrl.u32 s12, $0x3  }
0x10: {  	s2 =	simm.s32 $0x280;
	s1 =	sadd.s32 s6, s1;
	s6 =	ssub.s32 s8, s19  }
0x11: {  	s25 =	sshrl.u32 s24, $0x3;
	[dreg:$0x7] =	wrdreg s26;
	s19 =	simm.s32 $0x200  }
0x12: {  	s24 =	simm.s32 $0x7300;
	s26 =	simm.s32 $0x80;
	[dreg:$0x8] =	wrdreg s15  }
0x13: {  	s7 =	sshrl.u32 s7, $0x3;
	s1 =	sadd.s32 $0x2C600, s1;
	s6 =	smax.u32 s6, $0x1  }
0x14: {  	s14 =	sadd.s32 s25, s0;
	s25 =	simm.s32 $0x1;
	[dreg:$0x5] =	wrdreg s1  }
0x15: {  	s22 =	sadd.s32 s0, s7;
	[dreg:$0x6] =	wrdreg s6;
	s1 =	sshrl.u32 s23, $0x3  }
0x16: {  	s23 =	simm.s32 $0x6;
	s6 =	simm.s32 $0x0;
	s7 =	sadd.s32 $0x20, s22  }
0x17: {  	s16 =	sadd.s32 $0x40, s22;
	s13 =	sadd.s32 s1, s0;
	s12 =	smov.u32 s22  }
0x18: {  	s22 =	simm.s32 $0x3B00;
	s1 =	simm.s32 $0x3;
	s11 =	smov.u32 s7  }
.LBB2_1:
0x19: {  	s7 =	rddreg [dreg:$0x4]  }
0x1a: {  	[spmem:s15], [sflag:s9] =	dma.local [hbm:s7], $0x2800  }
0x1b: {  	_ =	swait.ge [sflag:s17], $0x2800  }
0x1c: {  	[sflag:s17] =	ssyncset.done $0x0  }
0x1d: {  	[sflag:s17] =	ssyncadd.s32 $0xFFFFD800  }
0x1e: {  	[tilespmem:s4], [sflag:$0x7] =	stream.linear.gather [hbm4b:s12+s4], $0x100, $0x38;
	[tilespmem:$0x1EB00] =	vst v63  }
0x1f: {  	_ =	swait.ge [sflag:s17], $0x100  }
0x20: {  	[sflag:s17] =	ssyncset.done $0x0  }
0x21: {  	[sflag:s17] =	ssyncadd.s32 $0xFFFFFF00  }
0x22: {  	[tilespmem:s18], [sflag:$0x7] =	stream.linear.gather [hbm4b:s11+s4], $0x100, $0x38;
	[tilespmem:$0x1EB00] =	vst v63  }
0x23: {  	_ =	swait.ge [sflag:s17], $0x100  }
0x24: {  	[sflag:s17] =	ssyncset.done $0x0  }
0x25: {  	[sflag:s17] =	ssyncadd.s32 $0xFFFFFF00  }
0x26: {  	[tilespmem:s19], [sflag:$0x6] =	stream.linear.gather [hbm4b:s16+s4], $0x100, $0x38;
	[tilespmem:$0x1EB00] =	vst v63  }
0x27: {  	_ = 	snop  }
0x28: {  	[tilespmem:s21], [sflag:$0x1] =	stream.indirect.gather [hbm4b:s5+s20], $0x80, s4, s20, $0xb8;
	[tilespmem:$0x1EB00] =	vst v63  }
0x29: {  	_ = 	snop  }
0x2a: {  	[tilespmem:s22], [sflag:$0x2] =	stream.indirect.gather [hbm4b:s5+s20], $0x80, s18, s20, $0xb8;
	[tilespmem:$0x1EB00] =	vst v63  }
0x2b: {  	[bflag:$0x0] =	sbarrier.arrive $0xFFFF  }
0x2c: {  	_ =	swait.ge [sflag:s23], $0x100  }
0x2d: {  	[sflag:s23] =	ssyncset.done $0x0  }
0x2e: {  	[sflag:s23] =	ssyncadd.s32 $0xFFFFFF00  }
0x2f: {  	[tilespmem:s24], [sflag:$0x3] =	stream.indirect.gather [hbm4b:s5+s20], $0x80, s19, s20, $0xb8;
	[tilespmem:$0x1EB00] =	vst v63  }
0x30: {  	_ =	swait.ge [sflag:s25], $0x3800  }
0x31: {  	[sflag:s25] =	ssyncset.done $0x0  }
0x32: {  	[sflag:s25] =	ssyncadd.s32 $0xFFFFC800  }
0x33: {  	[spmem:s3] =	stream.indirect.scatter.add.f32 [tilespmem:s21], [sflag:$0x7], $0x80, s26, s20, $0xb8;
	[tilespmem:$0x1EB00] =	vst v63  }
0x34: {  	_ =	swait.ge [sflag:s17], $0x3800  }
0x35: {  	s10 =	smov.u32 s9;
	s9 =	rddreg [dreg:$0x7]  }
0x36: {  	s8 =	smov.u32 s11;
	[sflag:s17] =	ssyncset.done $0x0;
	s11 =	sshrl.u32 s9, $0x3  }
0x37: {  	[sflag:s17] =	ssyncadd.s32 $0xFFFFC800;
	s7 =	sadd.s32 s0, s11  }
0x38: {  	[tilespmem:s4], [sflag:$0x4] =	stream.linear.gather [hbm4b:s7+s4], $0x100, $0x38;
	[tilespmem:$0x1EB00] =	vst v63  }
0x39: {  	_ =	swait.ge [sflag:s28], $0x100  }
0x3a: {  	[sflag:s28] =	ssyncset.done $0x0  }
0x3b: {  	[sflag:s28] =	ssyncadd.s32 $0xFFFFFF00  }
0x3c: {  	[tilespmem:s21], [sflag:$0x1] =	stream.indirect.gather [hbm4b:s5+s20], $0x80, s4, s20, $0xb8;
	[tilespmem:$0x1EB00] =	vst v63  }
0x3d: {  	_ =	swait.ge [sflag:s29], $0x3800  }
0x3e: {  	[sflag:s29] =	ssyncset.done $0x0  }
0x3f: {  	[sflag:s29] =	ssyncadd.s32 $0xFFFFC800  }
0x40: {  	[spmem:s3] =	stream.indirect.scatter.add.f32 [tilespmem:s22], [sflag:$0x7], $0x80, s30, s20, $0xb8;
	[tilespmem:$0x1EB00] =	vst v63  }
0x41: {  	_ =	swait.ge [sflag:s17], $0x3800  }
0x42: {  	[sflag:s17] =	ssyncset.done $0x0  }
0x43: {  	s15 =	smov.u32 s12;
	s12 =	sadd.s32 $0x0, s14;
	[sflag:s17] =	ssyncadd.s32 $0xFFFFC800  }
0x44: {  	[tilespmem:s18], [sflag:$0x5] =	stream.linear.gather [hbm4b:s12+s4], $0x100, $0x38;
	[tilespmem:$0x1EB00] =	vst v63  }
0x45: {  	_ =	swait.ge [sflag:s31], $0x100  }
0x46: {  	[sflag:s31] =	ssyncset.done $0x0  }
0x47: {  	[sflag:s31] =	ssyncadd.s32 $0xFFFFFF00  }
0x48: {  	[tilespmem:s22], [sflag:$0x2] =	stream.indirect.gather [hbm4b:s5+s20], $0x80, s18, s20, $0xb8;
	[tilespmem:$0x1EB00] =	vst v63  }
0x49: {  	_ =	swait.ge [sflag:s1], $0x3800  }
0x4a: {  	[sflag:s1] =	ssyncset.done $0x0  }
0x4b: {  	[sflag:s1] =	ssyncadd.s32 $0xFFFFC800  }
0x4c: {  	[spmem:s3] =	stream.indirect.scatter.add.f32 [tilespmem:s24], [sflag:$0x7], $0x80, s2, s20, $0xb8;
	[tilespmem:$0x1EB00] =	vst v63  }
0x4d: {  	_ =	swait.ge [sflag:s17], $0x3800  }
0x4e: {  	s11 =	simm.s32 $0x60;
	[sflag:s17] =	ssyncset.done $0x0  }
0x4f: {  	s7 =	sadd.s32 $0x0, s13;
	s12 =	sadd.s32 $0x300, s9;
	[sflag:s17] =	ssyncadd.s32 $0xFFFFC800  }
.LBB2_2:
0x50: {  	[tilespmem:s19], [sflag:$0x6] =	stream.linear.gather [hbm4b:s7+s4], $0x100, $0x38;
	[tilespmem:$0x1EB00] =	vst v63  }
0x51: {  	s7 =	smov.u32 s11  }
0x52: {  	p0 =	sne.s32 s11, $0xA80;
	s11 =	sadd.s32 $0x60, s11;
	_ =	swait.ge [sflag:s23], $0x100  }
0x53: {  	[sflag:s23] =	ssyncset.done $0x0  }
0x54: {  	[sflag:s23] =	ssyncadd.s32 $0xFFFFFF00  }
0x55: {  	[tilespmem:s24], [sflag:$0x3] =	stream.indirect.gather [hbm4b:s5+s20], $0x80, s19, s20, $0xb8;
	[tilespmem:$0x1EB00] =	vst v63  }
0x56: {  	_ =	swait.ge [sflag:s25], $0x3800  }
0x57: {  	[sflag:s25] =	ssyncset.done $0x0  }
0x58: {  	[sflag:s25] =	ssyncadd.s32 $0xFFFFC800  }
0x59: {  	[spmem:s3] =	stream.indirect.scatter.add.f32 [tilespmem:s21], [sflag:$0x7], $0x80, s26, s20, $0xb8;
	[tilespmem:$0x1EB00] =	vst v63  }
0x5a: {  	_ =	swait.ge [sflag:s17], $0x3800  }
0x5b: {  	s9 =	sshrl.u32 s12, $0x3;
	[sflag:s17] =	ssyncset.done $0x0  }
0x5c: {  	s9 =	sadd.s32 s0, s9;
	[sflag:s17] =	ssyncadd.s32 $0xFFFFC800  }
0x5d: {  	[tilespmem:s4], [sflag:$0x4] =	stream.linear.gather [hbm4b:s9+s4], $0x100, $0x38;
	[tilespmem:$0x1EB00] =	vst v63  }
0x5e: {  	_ =	swait.ge [sflag:s28], $0x100  }
0x5f: {  	[sflag:s28] =	ssyncset.done $0x0  }
0x60: {  	[sflag:s28] =	ssyncadd.s32 $0xFFFFFF00  }
0x61: {  	[tilespmem:s21], [sflag:$0x1] =	stream.indirect.gather [hbm4b:s5+s20], $0x80, s4, s20, $0xb8;
	[tilespmem:$0x1EB00] =	vst v63  }
0x62: {  	_ =	swait.ge [sflag:s29], $0x3800  }
0x63: {  	[sflag:s29] =	ssyncset.done $0x0  }
0x64: {  	[sflag:s29] =	ssyncadd.s32 $0xFFFFC800  }
0x65: {  	[spmem:s3] =	stream.indirect.scatter.add.f32 [tilespmem:s22], [sflag:$0x7], $0x80, s30, s20, $0xb8;
	[tilespmem:$0x1EB00] =	vst v63  }
0x66: {  	_ =	swait.ge [sflag:s17], $0x3800  }
0x67: {  	[sflag:s17] =	ssyncset.done $0x0  }
0x68: {  	s9 =	sadd.s32 s7, s14;
	[sflag:s17] =	ssyncadd.s32 $0xFFFFC800  }
0x69: {  	[tilespmem:s18], [sflag:$0x5] =	stream.linear.gather [hbm4b:s9+s4], $0x100, $0x38;
	[tilespmem:$0x1EB00] =	vst v63  }
0x6a: {  	_ =	swait.ge [sflag:s31], $0x100  }
0x6b: {  	[sflag:s31] =	ssyncset.done $0x0  }
0x6c: {  	[sflag:s31] =	ssyncadd.s32 $0xFFFFFF00  }
0x6d: {  	[tilespmem:s22], [sflag:$0x2] =	stream.indirect.gather [hbm4b:s5+s20], $0x80, s18, s20, $0xb8;
	[tilespmem:$0x1EB00] =	vst v63  }
0x6e: {  	_ =	swait.ge [sflag:s1], $0x3800  }
0x6f: {  	[sflag:s1] =	ssyncset.done $0x0  }
.Ltmp0:
0x70: {  	[sflag:s1] =	ssyncadd.s32 $0xFFFFC800;
	(pc) =	sbr.rel @p0 .LBB2_2-.Ltmp0, $4  }
0x71: {  	[spmem:s3] =	stream.indirect.scatter.add.f32 [tilespmem:s24], [sflag:$0x7], $0x80, s2, s20, $0xb8;
	[tilespmem:$0x1EB00] =	vst v63  }
0x72: {  	_ =	swait.ge [sflag:s17], $0x3800  }
0x73: {  	[sflag:s17] =	ssyncset.done $0x0  }
0x74: {  	s12 =	sadd.s32 $0x300, s12;
	s7 =	sadd.s32 s7, s13;
	[sflag:s17] =	ssyncadd.s32 $0xFFFFC800  }
0x75: {  	[tilespmem:s19], [sflag:$0x6] =	stream.linear.gather [hbm4b:s7+s4], $0x100, $0x38;
	[tilespmem:$0x1EB00] =	vst v63  }
0x76: {  	_ =	swait.ge [sflag:s23], $0x100  }
0x77: {  	[sflag:s23] =	ssyncset.done $0x0  }
0x78: {  	[sflag:s23] =	ssyncadd.s32 $0xFFFFFF00  }
0x79: {  	[tilespmem:s24], [sflag:$0x3] =	stream.indirect.gather [hbm4b:s5+s20], $0x80, s19, s20, $0xb8;
	[tilespmem:$0x1EB00] =	vst v63  }
0x7a: {  	_ =	swait.ge [sflag:s25], $0x3800  }
0x7b: {  	[sflag:s25] =	ssyncset.done $0x0  }
0x7c: {  	[sflag:s25] =	ssyncadd.s32 $0xFFFFC800  }
0x7d: {  	[spmem:s3] =	stream.indirect.scatter.add.f32 [tilespmem:s21], [sflag:$0x7], $0x80, s26, s20, $0xb8;
	[tilespmem:$0x1EB00] =	vst v63  }
0x7e: {  	_ =	swait.ge [sflag:s17], $0x3800  }
0x7f: {  	[sflag:s17] =	ssyncset.done $0x0  }
0x80: {  	[sflag:s17] =	ssyncadd.s32 $0xFFFFC800  }
0x81: {  	[tilespmem:s4], [sflag:$0x4] =	stream.linear.gather [hbm4b:s15+s4], $0x100, $0x38;
	[tilespmem:$0x1EB00] =	vst v63  }
0x82: {  	_ =	swait.ge [sflag:s28], $0x100  }
0x83: {  	[sflag:s28] =	ssyncset.done $0x0  }
0x84: {  	[sflag:s28] =	ssyncadd.s32 $0xFFFFFF00  }
0x85: {  	[tilespmem:s21], [sflag:$0x1] =	stream.indirect.gather [hbm4b:s5+s20], $0x80, s4, s20, $0xb8;
	[tilespmem:$0x1EB00] =	vst v63  }
0x86: {  	_ =	swait.ge [sflag:s29], $0x3800  }
0x87: {  	[sflag:s29] =	ssyncset.done $0x0  }
0x88: {  	[sflag:s29] =	ssyncadd.s32 $0xFFFFC800  }
0x89: {  	[spmem:s3] =	stream.indirect.scatter.add.f32 [tilespmem:s22], [sflag:$0x7], $0x80, s30, s20, $0xb8;
	[tilespmem:$0x1EB00] =	vst v63  }
0x8a: {  	_ =	swait.ge [sflag:s17], $0x3800  }
0x8b: {  	[sflag:s17] =	ssyncset.done $0x0  }
0x8c: {  	[sflag:s17] =	ssyncadd.s32 $0xFFFFC800  }
0x8d: {  	[tilespmem:s18], [sflag:$0x5] =	stream.linear.gather [hbm4b:s8+s4], $0x100, $0x38;
	[tilespmem:$0x1EB00] =	vst v63  }
0x8e: {  	_ =	swait.ge [sflag:s31], $0x100  }
0x8f: {  	[sflag:s31] =	ssyncset.done $0x0  }
0x90: {  	[sflag:s31] =	ssyncadd.s32 $0xFFFFFF00  }
0x91: {  	[tilespmem:s22], [sflag:$0x2] =	stream.indirect.gather [hbm4b:s5+s20], $0x80, s18, s20, $0xb8;
	[tilespmem:$0x1EB00] =	vst v63  }
0x92: {  	_ =	swait.ge [sflag:s1], $0x3800  }
0x93: {  	[sflag:s1] =	ssyncset.done $0x0  }
0x94: {  	[sflag:s1] =	ssyncadd.s32 $0xFFFFC800  }
0x95: {  	[spmem:s3] =	stream.indirect.scatter.add.f32 [tilespmem:s24], [sflag:$0x7], $0x80, s2, s20, $0xb8;
	[tilespmem:$0x1EB00] =	vst v63  }
0x96: {  	_ =	swait.ge [sflag:s17], $0x3800  }
0x97: {  	[sflag:s17] =	ssyncset.done $0x0  }
0x98: {  	[sflag:s17] =	ssyncadd.s32 $0xFFFFC800  }
0x99: {  	[tilespmem:s19], [sflag:$0x6] =	stream.linear.gather [hbm4b:s16+s4], $0x100, $0x38;
	[tilespmem:$0x1EB00] =	vst v63  }
0x9a: {  	_ =	swait.ge [sflag:s25], $0x3800  }
0x9b: {  	[sflag:s25] =	ssyncset.done $0x0  }
0x9c: {  	[sflag:s25] =	ssyncadd.s32 $0xFFFFC800  }
0x9d: {  	_ =	swait.ge [sflag:s29], $0x3800  }
0x9e: {  	[sflag:s29] =	ssyncset.done $0x0  }
0x9f: {  	[sflag:s29] =	ssyncadd.s32 $0xFFFFC800  }
0xa0: {  	_ =	swait.ge [sflag:s23], $0x100  }
0xa1: {  	[sflag:s23] =	ssyncset.done $0x0  }
0xa2: {  	[sflag:s23] =	ssyncadd.s32 $0xFFFFFF00  }
0xa3: {  	[bflag:$0x0] =	sbarrier.arrive $0xFFFF  }
0xa4: {  	s11 =	smov.u32 s8;
	s8 =	rddreg [dreg:$0x5]  }
0xa5: {  	s12 =	smov.u32 s15;
	s15 =	rddreg [dreg:$0x8]  }
0xa6: {  	[hbm:s8], [sflag:s10] =	dma.local [spmem:s15], $0x2800  }
0xa7: {  	_ =	swait.ge [sflag:s17], $0x2800  }
0xa8: {  	s9 =	smov.u32 s10;
	s6 =	sadd.s32 $0x1, s6;
	s10 =	rddreg [dreg:$0x6]  }
0xa9: {  	p0 =	sne.s32 s6, s10  }
.Ltmp1:
0xaa: {  	_ = 	snop;
	(pc) =	sbr.rel @p0 .LBB2_1-.Ltmp1, $3  }
0xab: {  	_ =	sdelay $0x1  }
0xac: {  	[sflag:s17] =	ssyncset.done $0x0  }
0xad: {  	[sflag:s17] =	ssyncadd.s32 $0xFFFFD800  }
0xae: {  	_ =	sfence.sel $0x180000  }
0xaf: {  	[bflag:$0x0] =	sbarrier.arrive $0xFFFF  }
0xb0: {  	_ =	strace $0x9000004A  }
0xb1: {  	s0 =	stileid.u32;
	[bflag:$0x2] =	sbarrier.arrive $0xFFFF  }
0xb2: {  	p0 =	sne.s32 s0, $0x0;
	s0 =	rddreg [dreg:$0x3]  }
0xb3: {  	s0 =	sadd.s32 @!p0 $0x100000, s0  }
0xb4: {  	[sflag:s0] =	ssyncadd.tile.s32 @!p0 $0x1;
	_ =	shalt  }
.Lfunc_end2:
_tile_overlayer_lowered:
.L_overlay_start_2:
0xb5: {  	(tag) =	ssettag $0x2  }
0xb6: {  	s0 =	rddreg [dreg:$0x0];
	s2 =	stileid.u32  }
0xb7: {  	s1 =	rddreg [dreg:$0x1];
	p0 =	sne.s32 s2, $0x0  }
0xb8: {  	s3 =	rddreg [dreg:$0x2];
	[bflag:$0x3] =	sbarrier.arrive $0xFFFF;
	s2 =	simm.s32 @!p0 $0x1C07  }
0xb9: {  	[timem:s3], [sflag:s2] =	dma.local @!p0 [hbm:s0], s1  }
0xba: {  	s0 =	simm.s32 @!p0 $0x7  }
0xbb: {  	_ =	swait.ge @!p0 [sflag:s0], s1  }
0xbc: {  	s1 =	ssub.s32 @!p0 $0x0, s1;
	[sflag:s0] =	ssyncset.done @!p0 $0x0  }
0xbd: {  	[sflag:s0] =	ssyncadd.s32 @!p0 s1  }
0xbe: {  	[bflag:$0x3] =	sbarrier.arrive $0xFFFF  }
0xbf: {  	_ =	shalt  }

</sc_bundles>
